<compile_context>
chip_gen: v7x
topology: tpu7x:2x2x1
jax: 0.10.2.dev20260603
libtpu: 0.0.44.dev20260713+nightly
codegen_flags: <defaults>
</compile_context>

<pallas_src>
import jax
import jax.numpy as jnp
from jax import lax
from jax.experimental import pallas as pl
from jax.experimental.pallas import tpu as pltpu
from jax.experimental.pallas import tpu_sc as plsc

_NUM_CORES = 2
_NW = 32

_TEC_ROWS = 5120
_TC_CHUNK = 16
_TC_NBUF = 4
_TC_LA = 2
_SC_CHUNK = 256
_SC_NBUF = 3
_SC_LA = 2


def _ring_copy(w_hbm, out_hbm, buf, gsems, ssems, base, total_rows, chunk,
               nbuf, la):
    nchunks = total_rows // chunk

    def gather(j):
        k = j % nbuf
        return pltpu.async_copy(
            w_hbm.at[pl.ds(base + j * chunk, chunk)], buf.at[k], gsems[k]
        )

    def scatter(i):
        k = i % nbuf
        return pltpu.async_copy(
            buf.at[k], out_hbm.at[pl.ds(base + i * chunk, chunk)], ssems[k]
        )

    gd, sd = {}, {}
    for j in range(min(la, nchunks)):
        gd[j] = gather(j)
    for i in range(nchunks):
        gd[i].wait()
        sd[i] = scatter(i)
        j = i + la
        if j < nchunks:
            if j >= nbuf:
                sd[j - nbuf].wait()
            gd[j] = gather(j)
    for i in range(max(0, nchunks - nbuf), nchunks):
        sd[i].wait()


def _tec_fn(w_hbm, out_hbm, tbuf, sbuf, *sems):
    gsems = sems[:_TC_NBUF]
    ssems = sems[_TC_NBUF:2 * _TC_NBUF]
    rpw = _TEC_ROWS // _NW
    wid = lax.axis_index("s") * _NUM_CORES + lax.axis_index("c")
    _ring_copy(w_hbm, out_hbm, tbuf, gsems, ssems, wid * rpw, rpw,
               _TC_CHUNK, _TC_NBUF, _TC_LA)


def _scs_fn(w_hbm, out_hbm, tbuf, sbuf, *sems):
    gsems = sems[2 * _TC_NBUF:2 * _TC_NBUF + _SC_NBUF]
    ssems = sems[2 * _TC_NBUF + _SC_NBUF:]
    rows = out_hbm.shape[0]
    rpc = (rows - _TEC_ROWS) // _NUM_CORES
    cid = lax.axis_index("c")
    _ring_copy(w_hbm, out_hbm, sbuf, gsems, ssems, _TEC_ROWS + cid * rpc,
               rpc, _SC_CHUNK, _SC_NBUF, _SC_LA)


def kernel(x, W):
    seq_len = x.shape[1]
    dim = W.shape[1]
    tec_mesh = plsc.VectorSubcoreMesh(core_axis_name="c", subcore_axis_name="s")
    scs_mesh = plsc.ScalarSubcoreMesh(axis_name="c")
    k = pl.kernel(
        [_tec_fn, _scs_fn],
        out_type=jax.ShapeDtypeStruct((seq_len, dim), W.dtype),
        mesh=[tec_mesh, scs_mesh],
        scratch_types=(
            [(pltpu.VMEM @ tec_mesh)((_TC_NBUF, _TC_CHUNK, dim), jnp.float32),
             pltpu.VMEM_SHARED((_SC_NBUF, _SC_CHUNK, dim), jnp.float32)]
            + [pltpu.SemaphoreType.DMA @ tec_mesh] * (2 * _TC_NBUF)
            + [pltpu.SemaphoreType.DMA @ scs_mesh] * (2 * _SC_NBUF)
        ),
    )
    return k(W)

# --- scband reference (transcript-rebuilt; emitter-appended) ---
"""Pipeline reference for scband-random-positional-embedding-62749472195320 (READ-ONLY COPY).

The authoritative reference and input builder live on the scoring server;
editing this copy changes nothing except your own understanding.
"""

import jax, jax.numpy as jnp
import numpy as np

DIM = 1024
MAX_SEQ_LEN = 8192

def setup_inputs(seed: int = 0) -> dict:
    key = jax.random.key(seed)
    k1, k2 = jax.random.split(key)
    x = jax.random.normal(k1, (4, 8192, 1024), dtype=jnp.float32)
    # nn.Embedding weight: [max_seq_len, dim], default init N(0,1)
    W = jax.random.normal(k2, (MAX_SEQ_LEN, DIM), dtype=jnp.float32)
    return {"x": x, "W": W}

def reference(x, W):
    seq_len = x.shape[1]
    positions = jnp.arange(seq_len, dtype=jnp.int32)
    return jnp.take(W, positions, axis=0)

if __name__ == "__main__":
    import jax
    _d = setup_inputs()
    print(jax.jit(kernel)(*tuple(_d.values())))

</pallas_src>

<mosaic_0001>
#map = affine_map<(d0, d1) -> (0, 0)>
#map1 = affine_map<(d0) -> (0, 0)>
module attributes {stable_mosaic.version = 14 : i64} {
  func.func @_tec_fn(%arg0: i32, %arg1: i32, %arg2: memref<8192x1024xf32, #tpu.memory_space<hbm>>, %arg3: memref<8192x1024xf32, #tpu.memory_space<hbm>>, %arg4: memref<4x16x1024xf32, #tpu.memory_space<vmem>>, %arg5: memref<3x256x1024xf32, #tpu.memory_space<vmem_shared>>, %arg6: memref<!tpu.dma_semaphore, #tpu.memory_space<semaphore_mem>>, %arg7: memref<!tpu.dma_semaphore, #tpu.memory_space<semaphore_mem>>, %arg8: memref<!tpu.dma_semaphore, #tpu.memory_space<semaphore_mem>>, %arg9: memref<!tpu.dma_semaphore, #tpu.memory_space<semaphore_mem>>, %arg10: memref<!tpu.dma_semaphore, #tpu.memory_space<semaphore_mem>>, %arg11: memref<!tpu.dma_semaphore, #tpu.memory_space<semaphore_mem>>, %arg12: memref<!tpu.dma_semaphore, #tpu.memory_space<semaphore_mem>>, %arg13: memref<!tpu.dma_semaphore, #tpu.memory_space<semaphore_mem>>, %arg14: memref<!tpu.dma_semaphore, #tpu.memory_space<semaphore_mem, sc_scalar_subcore>>, %arg15: memref<!tpu.dma_semaphore, #tpu.memory_space<semaphore_mem, sc_scalar_subcore>>, %arg16: memref<!tpu.dma_semaphore, #tpu.memory_space<semaphore_mem, sc_scalar_subcore>>, %arg17: memref<!tpu.dma_semaphore, #tpu.memory_space<semaphore_mem, sc_scalar_subcore>>, %arg18: memref<!tpu.dma_semaphore, #tpu.memory_space<semaphore_mem, sc_scalar_subcore>>, %arg19: memref<!tpu.dma_semaphore, #tpu.memory_space<semaphore_mem, sc_scalar_subcore>>) attributes {dimension_semantics = [#tpu.dimension_semantics<core_parallel>, #tpu.dimension_semantics<subcore_parallel>], iteration_bounds = array<i64: 2, 16>, scalar_prefetch = 0 : i64, scratch_operands = 16 : i64, tpu.core_type = #tpu.core_type<sc_vector_subcore>, window_params = [{transform_indices = #map}, {transform_indices = #map}]} {
    %mul3A = arith.constant 2 : i32
    %mul3A_0 = arith.muli %arg1, %mul3A : i32
    %add3A = arith.addi %mul3A_0, %arg0 : i32
    %mul3A_1 = arith.constant 160 : i32
    %mul3A_2 = arith.muli %add3A, %mul3A_1 : i32
    %add3A_3 = arith.constant 0 : i32
    %add3A_4 = arith.addi %mul3A_2, %add3A_3 : i32
    %dma_start3A = arith.constant 0 : i32
    %dma_start3A_5 = arith.constant 0 : i32
    %dma_start3A_6 = arith.constant 0 : i32
    %dma_start3A_7 = tpu.memref_slice %arg4[%dma_start3A, %dma_start3A_5, %dma_start3A_6] : memref<4x16x1024xf32, #tpu.memory_space<vmem>> -> memref<1x16x1024xf32, #tpu.memory_space<vmem>>
    %dma_start3A_8 = tpu.memref_squeeze %dma_start3A_7 : memref<1x16x1024xf32, #tpu.memory_space<vmem>> -> memref<16x1024xf32, #tpu.memory_space<vmem>>
    %dma_start3A_9 = arith.constant 0 : i32
    %dma_start3A_10 = tpu.memref_slice %arg2[%add3A_4, %dma_start3A_9] : memref<8192x1024xf32, #tpu.memory_space<hbm>> -> memref<16x1024xf32, #tpu.memory_space<hbm>>
    %dma_start3A_11 = arith.constant 0 : i32
    %dma_start3A_12 = arith.constant 0 : i32
    %dma_start3A_13 = tpu.memref_slice %arg4[%dma_start3A, %dma_start3A_11, %dma_start3A_12] : memref<4x16x1024xf32, #tpu.memory_space<vmem>> -> memref<1x16x1024xf32, #tpu.memory_space<vmem>>
    %dma_start3A_14 = tpu.memref_squeeze %dma_start3A_13 : memref<1x16x1024xf32, #tpu.memory_space<vmem>> -> memref<16x1024xf32, #tpu.memory_space<vmem>>
    %dma_start3A_15 = arith.constant 0 : i32
    %dma_start3A_16 = tpu.memref_slice %arg2[%add3A_4, %dma_start3A_15] : memref<8192x1024xf32, #tpu.memory_space<hbm>> -> memref<16x1024xf32, #tpu.memory_space<hbm>>
    tpu.enqueue_dma source(%dma_start3A_16 : memref<16x1024xf32, #tpu.memory_space<hbm>>) target(%dma_start3A_14 : memref<16x1024xf32, #tpu.memory_space<vmem>>) target_semaphore(%arg6 : memref<!tpu.dma_semaphore, #tpu.memory_space<semaphore_mem>>)
    %add3A_17 = arith.constant 16 : i32
    %add3A_18 = arith.addi %mul3A_2, %add3A_17 : i32
    %dma_start3A_19 = arith.constant 1 : i32
    %dma_start3A_20 = arith.constant 0 : i32
    %dma_start3A_21 = arith.constant 0 : i32
    %dma_start3A_22 = tpu.memref_slice %arg4[%dma_start3A_19, %dma_start3A_20, %dma_start3A_21] : memref<4x16x1024xf32, #tpu.memory_space<vmem>> -> memref<1x16x1024xf32, #tpu.memory_space<vmem>>
    %dma_start3A_23 = tpu.memref_squeeze %dma_start3A_22 : memref<1x16x1024xf32, #tpu.memory_space<vmem>> -> memref<16x1024xf32, #tpu.memory_space<vmem>>
    %dma_start3A_24 = arith.constant 0 : i32
    %dma_start3A_25 = tpu.memref_slice %arg2[%add3A_18, %dma_start3A_24] : memref<8192x1024xf32, #tpu.memory_space<hbm>> -> memref<16x1024xf32, #tpu.memory_space<hbm>>
    %dma_start3A_26 = arith.constant 0 : i32
    %dma_start3A_27 = arith.constant 0 : i32
    %dma_start3A_28 = tpu.memref_slice %arg4[%dma_start3A_19, %dma_start3A_26, %dma_start3A_27] : memref<4x16x1024xf32, #tpu.memory_space<vmem>> -> memref<1x16x1024xf32, #tpu.memory_space<vmem>>
    %dma_start3A_29 = tpu.memref_squeeze %dma_start3A_28 : memref<1x16x1024xf32, #tpu.memory_space<vmem>> -> memref<16x1024xf32, #tpu.memory_space<vmem>>
    %dma_start3A_30 = arith.constant 0 : i32
    %dma_start3A_31 = tpu.memref_slice %arg2[%add3A_18, %dma_start3A_30] : memref<8192x1024xf32, #tpu.memory_space<hbm>> -> memref<16x1024xf32, #tpu.memory_space<hbm>>
    tpu.enqueue_dma source(%dma_start3A_31 : memref<16x1024xf32, #tpu.memory_space<hbm>>) target(%dma_start3A_29 : memref<16x1024xf32, #tpu.memory_space<vmem>>) target_semaphore(%arg7 : memref<!tpu.dma_semaphore, #tpu.memory_space<semaphore_mem>>)
    %dma_wait3A = arith.constant 0 : i32
    %dma_wait3A_32 = arith.constant 0 : i32
    %dma_wait3A_33 = arith.constant 0 : i32
    %dma_wait3A_34 = tpu.memref_slice %arg4[%dma_wait3A, %dma_wait3A_32, %dma_wait3A_33] : memref<4x16x1024xf32, #tpu.memory_space<vmem>> -> memref<1x16x1024xf32, #tpu.memory_space<vmem>>
    %dma_wait3A_35 = tpu.memref_squeeze %dma_wait3A_34 : memref<1x16x1024xf32, #tpu.memory_space<vmem>> -> memref<16x1024xf32, #tpu.memory_space<vmem>>
    %dma_wait3A_36 = arith.constant 0 : i32
    %dma_wait3A_37 = tpu.memref_slice %arg2[%add3A_4, %dma_wait3A_36] : memref<8192x1024xf32, #tpu.memory_space<hbm>> -> memref<16x1024xf32, #tpu.memory_space<hbm>>
    %dma_wait3A_38 = arith.constant 0 : i32
    %dma_wait3A_39 = arith.constant 0 : i32
    %dma_wait3A_40 = tpu.memref_slice %arg4[%dma_wait3A, %dma_wait3A_38, %dma_wait3A_39] : memref<4x16x1024xf32, #tpu.memory_space<vmem>> -> memref<1x16x1024xf32, #tpu.memory_space<vmem>>
    %dma_wait3A_41 = tpu.memref_squeeze %dma_wait3A_40 : memref<1x16x1024xf32, #tpu.memory_space<vmem>> -> memref<16x1024xf32, #tpu.memory_space<vmem>>
    %dma_wait3A_42 = arith.constant 0 : i32
    %dma_wait3A_43 = tpu.memref_slice %arg2[%add3A_4, %dma_wait3A_42] : memref<8192x1024xf32, #tpu.memory_space<hbm>> -> memref<16x1024xf32, #tpu.memory_space<hbm>>
    tpu.wait_dma2 semaphore(%arg6 : memref<!tpu.dma_semaphore, #tpu.memory_space<semaphore_mem>>) src(%dma_wait3A_43 : memref<16x1024xf32, #tpu.memory_space<hbm>>) dst(%dma_wait3A_41 : memref<16x1024xf32, #tpu.memory_space<vmem>>)
    %add3A_44 = arith.constant 0 : i32
    %add3A_45 = arith.addi %mul3A_2, %add3A_44 : i32
    %dma_start3A_46 = arith.constant 0 : i32
    %dma_start3A_47 = arith.constant 0 : i32
    %dma_start3A_48 = arith.constant 0 : i32
    %dma_start3A_49 = tpu.memref_slice %arg4[%dma_start3A_46, %dma_start3A_47, %dma_start3A_48] : memref<4x16x1024xf32, #tpu.memory_space<vmem>> -> memref<1x16x1024xf32, #tpu.memory_space<vmem>>
    %dma_start3A_50 = tpu.memref_squeeze %dma_start3A_49 : memref<1x16x1024xf32, #tpu.memory_space<vmem>> -> memref<16x1024xf32, #tpu.memory_space<vmem>>
    %dma_start3A_51 = arith.constant 0 : i32
    %dma_start3A_52 = tpu.memref_slice %arg3[%add3A_45, %dma_start3A_51] : memref<8192x1024xf32, #tpu.memory_space<hbm>> -> memref<16x1024xf32, #tpu.memory_space<hbm>>
    %dma_start3A_53 = arith.constant 0 : i32
    %dma_start3A_54 = tpu.memref_slice %arg3[%add3A_45, %dma_start3A_53] : memref<8192x1024xf32, #tpu.memory_space<hbm>> -> memref<16x1024xf32, #tpu.memory_space<hbm>>
    %dma_start3A_55 = arith.constant 0 : i32
    %dma_start3A_56 = arith.constant 0 : i32
    %dma_start3A_57 = tpu.memref_slice %arg4[%dma_start3A_46, %dma_start3A_55, %dma_start3A_56] : memref<4x16x1024xf32, #tpu.memory_space<vmem>> -> memref<1x16x1024xf32, #tpu.memory_space<vmem>>
    %dma_start3A_58 = tpu.memref_squeeze %dma_start3A_57 : memref<1x16x1024xf32, #tpu.memory_space<vmem>> -> memref<16x1024xf32, #tpu.memory_space<vmem>>
    tpu.enqueue_dma source(%dma_start3A_58 : memref<16x1024xf32, #tpu.memory_space<vmem>>) target(%dma_start3A_54 : memref<16x1024xf32, #tpu.memory_space<hbm>>) target_semaphore(%arg10 : memref<!tpu.dma_semaphore, #tpu.memory_space<semaphore_mem>>)
    %add3A_59 = arith.constant 32 : i32
    %add3A_60 = arith.addi %mul3A_2, %add3A_59 : i32
    %dma_start3A_61 = arith.constant 2 : i32
    %dma_start3A_62 = arith.constant 0 : i32
    %dma_start3A_63 = arith.constant 0 : i32
    %dma_start3A_64 = tpu.memref_slice %arg4[%dma_start3A_61, %dma_start3A_62, %dma_start3A_63] : memref<4x16x1024xf32, #tpu.memory_space<vmem>> -> memref<1x16x1024xf32, #tpu.memory_space<vmem>>
    %dma_start3A_65 = tpu.memref_squeeze %dma_start3A_64 : memref<1x16x1024xf32, #tpu.memory_space<vmem>> -> memref<16x1024xf32, #tpu.memory_space<vmem>>
    %dma_start3A_66 = arith.constant 0 : i32
    %dma_start3A_67 = tpu.memref_slice %arg2[%add3A_60, %dma_start3A_66] : memref<8192x1024xf32, #tpu.memory_space<hbm>> -> memref<16x1024xf32, #tpu.memory_space<hbm>>
    %dma_start3A_68 = arith.constant 0 : i32
    %dma_start3A_69 = arith.constant 0 : i32
    %dma_start3A_70 = tpu.memref_slice %arg4[%dma_start3A_61, %dma_start3A_68, %dma_start3A_69] : memref<4x16x1024xf32, #tpu.memory_space<vmem>> -> memref<1x16x1024xf32, #tpu.memory_space<vmem>>
    %dma_start3A_71 = tpu.memref_squeeze %dma_start3A_70 : memref<1x16x1024xf32, #tpu.memory_space<vmem>> -> memref<16x1024xf32, #tpu.memory_space<vmem>>
    %dma_start3A_72 = arith.constant 0 : i32
    %dma_start3A_73 = tpu.memref_slice %arg2[%add3A_60, %dma_start3A_72] : memref<8192x1024xf32, #tpu.memory_space<hbm>> -> memref<16x1024xf32, #tpu.memory_space<hbm>>
    tpu.enqueue_dma source(%dma_start3A_73 : memref<16x1024xf32, #tpu.memory_space<hbm>>) target(%dma_start3A_71 : memref<16x1024xf32, #tpu.memory_space<vmem>>) target_semaphore(%arg8 : memref<!tpu.dma_semaphore, #tpu.memory_space<semaphore_mem>>)
    %dma_wait3A_74 = arith.constant 1 : i32
    %dma_wait3A_75 = arith.constant 0 : i32
    %dma_wait3A_76 = arith.constant 0 : i32
    %dma_wait3A_77 = tpu.memref_slice %arg4[%dma_wait3A_74, %dma_wait3A_75, %dma_wait3A_76] : memref<4x16x1024xf32, #tpu.memory_space<vmem>> -> memref<1x16x1024xf32, #tpu.memory_space<vmem>>
    %dma_wait3A_78 = tpu.memref_squeeze %dma_wait3A_77 : memref<1x16x1024xf32, #tpu.memory_space<vmem>> -> memref<16x1024xf32, #tpu.memory_space<vmem>>
    %dma_wait3A_79 = arith.constant 0 : i32
    %dma_wait3A_80 = tpu.memref_slice %arg2[%add3A_18, %dma_wait3A_79] : memref<8192x1024xf32, #tpu.memory_space<hbm>> -> memref<16x1024xf32, #tpu.memory_space<hbm>>
    %dma_wait3A_81 = arith.constant 0 : i32
    %dma_wait3A_82 = arith.constant 0 : i32
    %dma_wait3A_83 = tpu.memref_slice %arg4[%dma_wait3A_74, %dma_wait3A_81, %dma_wait3A_82] : memref<4x16x1024xf32, #tpu.memory_space<vmem>> -> memref<1x16x1024xf32, #tpu.memory_space<vmem>>
    %dma_wait3A_84 = tpu.memref_squeeze %dma_wait3A_83 : memref<1x16x1024xf32, #tpu.memory_space<vmem>> -> memref<16x1024xf32, #tpu.memory_space<vmem>>
    %dma_wait3A_85 = arith.constant 0 : i32
    %dma_wait3A_86 = tpu.memref_slice %arg2[%add3A_18, %dma_wait3A_85] : memref<8192x1024xf32, #tpu.memory_space<hbm>> -> memref<16x1024xf32, #tpu.memory_space<hbm>>
    tpu.wait_dma2 semaphore(%arg7 : memref<!tpu.dma_semaphore, #tpu.memory_space<semaphore_mem>>) src(%dma_wait3A_86 : memref<16x1024xf32, #tpu.memory_space<hbm>>) dst(%dma_wait3A_84 : memref<16x1024xf32, #tpu.memory_space<vmem>>)
    %add3A_87 = arith.constant 16 : i32
    %add3A_88 = arith.addi %mul3A_2, %add3A_87 : i32
    %dma_start3A_89 = arith.constant 1 : i32
    %dma_start3A_90 = arith.constant 0 : i32
    %dma_start3A_91 = arith.constant 0 : i32
    %dma_start3A_92 = tpu.memref_slice %arg4[%dma_start3A_89, %dma_start3A_90, %dma_start3A_91] : memref<4x16x1024xf32, #tpu.memory_space<vmem>> -> memref<1x16x1024xf32, #tpu.memory_space<vmem>>
    %dma_start3A_93 = tpu.memref_squeeze %dma_start3A_92 : memref<1x16x1024xf32, #tpu.memory_space<vmem>> -> memref<16x1024xf32, #tpu.memory_space<vmem>>
    %dma_start3A_94 = arith.constant 0 : i32
    %dma_start3A_95 = tpu.memref_slice %arg3[%add3A_88, %dma_start3A_94] : memref<8192x1024xf32, #tpu.memory_space<hbm>> -> memref<16x1024xf32, #tpu.memory_space<hbm>>
    %dma_start3A_96 = arith.constant 0 : i32
    %dma_start3A_97 = tpu.memref_slice %arg3[%add3A_88, %dma_start3A_96] : memref<8192x1024xf32, #tpu.memory_space<hbm>> -> memref<16x1024xf32, #tpu.memory_space<hbm>>
    %dma_start3A_98 = arith.constant 0 : i32
    %dma_start3A_99 = arith.constant 0 : i32
    %dma_start3A_100 = tpu.memref_slice %arg4[%dma_start3A_89, %dma_start3A_98, %dma_start3A_99] : memref<4x16x1024xf32, #tpu.memory_space<vmem>> -> memref<1x16x1024xf32, #tpu.memory_space<vmem>>
    %dma_start3A_101 = tpu.memref_squeeze %dma_start3A_100 : memref<1x16x1024xf32, #tpu.memory_space<vmem>> -> memref<16x1024xf32, #tpu.memory_space<vmem>>
    tpu.enqueue_dma source(%dma_start3A_101 : memref<16x1024xf32, #tpu.memory_space<vmem>>) target(%dma_start3A_97 : memref<16x1024xf32, #tpu.memory_space<hbm>>) target_semaphore(%arg11 : memref<!tpu.dma_semaphore, #tpu.memory_space<semaphore_mem>>)
    %add3A_102 = arith.constant 48 : i32
    %add3A_103 = arith.addi %mul3A_2, %add3A_102 : i32
    %dma_start3A_104 = arith.constant 3 : i32
    %dma_start3A_105 = arith.constant 0 : i32
    %dma_start3A_106 = arith.constant 0 : i32
    %dma_start3A_107 = tpu.memref_slice %arg4[%dma_start3A_104, %dma_start3A_105, %dma_start3A_106] : memref<4x16x1024xf32, #tpu.memory_space<vmem>> -> memref<1x16x1024xf32, #tpu.memory_space<vmem>>
    %dma_start3A_108 = tpu.memref_squeeze %dma_start3A_107 : memref<1x16x1024xf32, #tpu.memory_space<vmem>> -> memref<16x1024xf32, #tpu.memory_space<vmem>>
    %dma_start3A_109 = arith.constant 0 : i32
    %dma_start3A_110 = tpu.memref_slice %arg2[%add3A_103, %dma_start3A_109] : memref<8192x1024xf32, #tpu.memory_space<hbm>> -> memref<16x1024xf32, #tpu.memory_space<hbm>>
    %dma_start3A_111 = arith.constant 0 : i32
    %dma_start3A_112 = arith.constant 0 : i32
    %dma_start3A_113 = tpu.memref_slice %arg4[%dma_start3A_104, %dma_start3A_111, %dma_start3A_112] : memref<4x16x1024xf32, #tpu.memory_space<vmem>> -> memref<1x16x1024xf32, #tpu.memory_space<vmem>>
    %dma_start3A_114 = tpu.memref_squeeze %dma_start3A_113 : memref<1x16x1024xf32, #tpu.memory_space<vmem>> -> memref<16x1024xf32, #tpu.memory_space<vmem>>
    %dma_start3A_115 = arith.constant 0 : i32
    %dma_start3A_116 = tpu.memref_slice %arg2[%add3A_103, %dma_start3A_115] : memref<8192x1024xf32, #tpu.memory_space<hbm>> -> memref<16x1024xf32, #tpu.memory_space<hbm>>
    tpu.enqueue_dma source(%dma_start3A_116 : memref<16x1024xf32, #tpu.memory_space<hbm>>) target(%dma_start3A_114 : memref<16x1024xf32, #tpu.memory_space<vmem>>) target_semaphore(%arg9 : memref<!tpu.dma_semaphore, #tpu.memory_space<semaphore_mem>>)
    %dma_wait3A_117 = arith.constant 2 : i32
    %dma_wait3A_118 = arith.constant 0 : i32
    %dma_wait3A_119 = arith.constant 0 : i32
    %dma_wait3A_120 = tpu.memref_slice %arg4[%dma_wait3A_117, %dma_wait3A_118, %dma_wait3A_119] : memref<4x16x1024xf32, #tpu.memory_space<vmem>> -> memref<1x16x1024xf32, #tpu.memory_space<vmem>>
    %dma_wait3A_121 = tpu.memref_squeeze %dma_wait3A_120 : memref<1x16x1024xf32, #tpu.memory_space<vmem>> -> memref<16x1024xf32, #tpu.memory_space<vmem>>
    %dma_wait3A_122 = arith.constant 0 : i32
    %dma_wait3A_123 = tpu.memref_slice %arg2[%add3A_60, %dma_wait3A_122] : memref<8192x1024xf32, #tpu.memory_space<hbm>> -> memref<16x1024xf32, #tpu.memory_space<hbm>>
    %dma_wait3A_124 = arith.constant 0 : i32
    %dma_wait3A_125 = arith.constant 0 : i32
    %dma_wait3A_126 = tpu.memref_slice %arg4[%dma_wait3A_117, %dma_wait3A_124, %dma_wait3A_125] : memref<4x16x1024xf32, #tpu.memory_space<vmem>> -> memref<1x16x1024xf32, #tpu.memory_space<vmem>>
    %dma_wait3A_127 = tpu.memref_squeeze %dma_wait3A_126 : memref<1x16x1024xf32, #tpu.memory_space<vmem>> -> memref<16x1024xf32, #tpu.memory_space<vmem>>
    %dma_wait3A_128 = arith.constant 0 : i32
    %dma_wait3A_129 = tpu.memref_slice %arg2[%add3A_60, %dma_wait3A_128] : memref<8192x1024xf32, #tpu.memory_space<hbm>> -> memref<16x1024xf32, #tpu.memory_space<hbm>>
    tpu.wait_dma2 semaphore(%arg8 : memref<!tpu.dma_semaphore, #tpu.memory_space<semaphore_mem>>) src(%dma_wait3A_129 : memref<16x1024xf32, #tpu.memory_space<hbm>>) dst(%dma_wait3A_127 : memref<16x1024xf32, #tpu.memory_space<vmem>>)
    %add3A_130 = arith.constant 32 : i32
    %add3A_131 = arith.addi %mul3A_2, %add3A_130 : i32
    %dma_start3A_132 = arith.constant 2 : i32
    %dma_start3A_133 = arith.constant 0 : i32
    %dma_start3A_134 = arith.constant 0 : i32
    %dma_start3A_135 = tpu.memref_slice %arg4[%dma_start3A_132, %dma_start3A_133, %dma_start3A_134] : memref<4x16x1024xf32, #tpu.memory_space<vmem>> -> memref<1x16x1024xf32, #tpu.memory_space<vmem>>
    %dma_start3A_136 = tpu.memref_squeeze %dma_start3A_135 : memref<1x16x1024xf32, #tpu.memory_space<vmem>> -> memref<16x1024xf32, #tpu.memory_space<vmem>>
    %dma_start3A_137 = arith.constant 0 : i32
    %dma_start3A_138 = tpu.memref_slice %arg3[%add3A_131, %dma_start3A_137] : memref<8192x1024xf32, #tpu.memory_space<hbm>> -> memref<16x1024xf32, #tpu.memory_space<hbm>>
    %dma_start3A_139 = arith.constant 0 : i32
    %dma_start3A_140 = tpu.memref_slice %arg3[%add3A_131, %dma_start3A_139] : memref<8192x1024xf32, #tpu.memory_space<hbm>> -> memref<16x1024xf32, #tpu.memory_space<hbm>>
    %dma_start3A_141 = arith.constant 0 : i32
    %dma_start3A_142 = arith.constant 0 : i32
    %dma_start3A_143 = tpu.memref_slice %arg4[%dma_start3A_132, %dma_start3A_141, %dma_start3A_142] : memref<4x16x1024xf32, #tpu.memory_space<vmem>> -> memref<1x16x1024xf32, #tpu.memory_space<vmem>>
    %dma_start3A_144 = tpu.memref_squeeze %dma_start3A_143 : memref<1x16x1024xf32, #tpu.memory_space<vmem>> -> memref<16x1024xf32, #tpu.memory_space<vmem>>
    tpu.enqueue_dma source(%dma_start3A_144 : memref<16x1024xf32, #tpu.memory_space<vmem>>) target(%dma_start3A_140 : memref<16x1024xf32, #tpu.memory_space<hbm>>) target_semaphore(%arg12 : memref<!tpu.dma_semaphore, #tpu.memory_space<semaphore_mem>>)
    %dma_wait3A_145 = arith.constant 0 : i32
    %dma_wait3A_146 = arith.constant 0 : i32
    %dma_wait3A_147 = arith.constant 0 : i32
    %dma_wait3A_148 = tpu.memref_slice %arg4[%dma_wait3A_145, %dma_wait3A_146, %dma_wait3A_147] : memref<4x16x1024xf32, #tpu.memory_space<vmem>> -> memref<1x16x1024xf32, #tpu.memory_space<vmem>>
    %dma_wait3A_149 = tpu.memref_squeeze %dma_wait3A_148 : memref<1x16x1024xf32, #tpu.memory_space<vmem>> -> memref<16x1024xf32, #tpu.memory_space<vmem>>
    %dma_wait3A_150 = arith.constant 0 : i32
    %dma_wait3A_151 = tpu.memref_slice %arg3[%add3A_45, %dma_wait3A_150] : memref<8192x1024xf32, #tpu.memory_space<hbm>> -> memref<16x1024xf32, #tpu.memory_space<hbm>>
    %dma_wait3A_152 = arith.constant 0 : i32
    %dma_wait3A_153 = tpu.memref_slice %arg3[%add3A_45, %dma_wait3A_152] : memref<8192x1024xf32, #tpu.memory_space<hbm>> -> memref<16x1024xf32, #tpu.memory_space<hbm>>
    %dma_wait3A_154 = arith.constant 0 : i32
    %dma_wait3A_155 = arith.constant 0 : i32
    %dma_wait3A_156 = tpu.memref_slice %arg4[%dma_wait3A_145, %dma_wait3A_154, %dma_wait3A_155] : memref<4x16x1024xf32, #tpu.memory_space<vmem>> -> memref<1x16x1024xf32, #tpu.memory_space<vmem>>
    %dma_wait3A_157 = tpu.memref_squeeze %dma_wait3A_156 : memref<1x16x1024xf32, #tpu.memory_space<vmem>> -> memref<16x1024xf32, #tpu.memory_space<vmem>>
    tpu.wait_dma2 semaphore(%arg10 : memref<!tpu.dma_semaphore, #tpu.memory_space<semaphore_mem>>) src(%dma_wait3A_157 : memref<16x1024xf32, #tpu.memory_space<vmem>>) dst(%dma_wait3A_153 : memref<16x1024xf32, #tpu.memory_space<hbm>>)
    %add3A_158 = arith.constant 64 : i32
    %add3A_159 = arith.addi %mul3A_2, %add3A_158 : i32
    %dma_start3A_160 = arith.constant 0 : i32
    %dma_start3A_161 = arith.constant 0 : i32
    %dma_start3A_162 = arith.constant 0 : i32
    %dma_start3A_163 = tpu.memref_slice %arg4[%dma_start3A_160, %dma_start3A_161, %dma_start3A_162] : memref<4x16x1024xf32, #tpu.memory_space<vmem>> -> memref<1x16x1024xf32, #tpu.memory_space<vmem>>
    %dma_start3A_164 = tpu.memref_squeeze %dma_start3A_163 : memref<1x16x1024xf32, #tpu.memory_space<vmem>> -> memref<16x1024xf32, #tpu.memory_space<vmem>>
    %dma_start3A_165 = arith.constant 0 : i32
    %dma_start3A_166 = tpu.memref_slice %arg2[%add3A_159, %dma_start3A_165] : memref<8192x1024xf32, #tpu.memory_space<hbm>> -> memref<16x1024xf32, #tpu.memory_space<hbm>>
    %dma_start3A_167 = arith.constant 0 : i32
    %dma_start3A_168 = arith.constant 0 : i32
    %dma_start3A_169 = tpu.memref_slice %arg4[%dma_start3A_160, %dma_start3A_167, %dma_start3A_168] : memref<4x16x1024xf32, #tpu.memory_space<vmem>> -> memref<1x16x1024xf32, #tpu.memory_space<vmem>>
    %dma_start3A_170 = tpu.memref_squeeze %dma_start3A_169 : memref<1x16x1024xf32, #tpu.memory_space<vmem>> -> memref<16x1024xf32, #tpu.memory_space<vmem>>
    %dma_start3A_171 = arith.constant 0 : i32
    %dma_start3A_172 = tpu.memref_slice %arg2[%add3A_159, %dma_start3A_171] : memref<8192x1024xf32, #tpu.memory_space<hbm>> -> memref<16x1024xf32, #tpu.memory_space<hbm>>
    tpu.enqueue_dma source(%dma_start3A_172 : memref<16x1024xf32, #tpu.memory_space<hbm>>) target(%dma_start3A_170 : memref<16x1024xf32, #tpu.memory_space<vmem>>) target_semaphore(%arg6 : memref<!tpu.dma_semaphore, #tpu.memory_space<semaphore_mem>>)
    %dma_wait3A_173 = arith.constant 3 : i32
    %dma_wait3A_174 = arith.constant 0 : i32
    %dma_wait3A_175 = arith.constant 0 : i32
    %dma_wait3A_176 = tpu.memref_slice %arg4[%dma_wait3A_173, %dma_wait3A_174, %dma_wait3A_175] : memref<4x16x1024xf32, #tpu.memory_space<vmem>> -> memref<1x16x1024xf32, #tpu.memory_space<vmem>>
    %dma_wait3A_177 = tpu.memref_squeeze %dma_wait3A_176 : memref<1x16x1024xf32, #tpu.memory_space<vmem>> -> memref<16x1024xf32, #tpu.memory_space<vmem>>
    %dma_wait3A_178 = arith.constant 0 : i32
    %dma_wait3A_179 = tpu.memref_slice %arg2[%add3A_103, %dma_wait3A_178] : memref<8192x1024xf32, #tpu.memory_space<hbm>> -> memref<16x1024xf32, #tpu.memory_space<hbm>>
    %dma_wait3A_180 = arith.constant 0 : i32
    %dma_wait3A_181 = arith.constant 0 : i32
    %dma_wait3A_182 = tpu.memref_slice %arg4[%dma_wait3A_173, %dma_wait3A_180, %dma_wait3A_181] : memref<4x16x1024xf32, #tpu.memory_space<vmem>> -> memref<1x16x1024xf32, #tpu.memory_space<vmem>>
    %dma_wait3A_183 = tpu.memref_squeeze %dma_wait3A_182 : memref<1x16x1024xf32, #tpu.memory_space<vmem>> -> memref<16x1024xf32, #tpu.memory_space<vmem>>
    %dma_wait3A_184 = arith.constant 0 : i32
    %dma_wait3A_185 = tpu.memref_slice %arg2[%add3A_103, %dma_wait3A_184] : memref<8192x1024xf32, #tpu.memory_space<hbm>> -> memref<16x1024xf32, #tpu.memory_space<hbm>>
    tpu.wait_dma2 semaphore(%arg9 : memref<!tpu.dma_semaphore, #tpu.memory_space<semaphore_mem>>) src(%dma_wait3A_185 : memref<16x1024xf32, #tpu.memory_space<hbm>>) dst(%dma_wait3A_183 : memref<16x1024xf32, #tpu.memory_space<vmem>>)
    %add3A_186 = arith.constant 48 : i32
    %add3A_187 = arith.addi %mul3A_2, %add3A_186 : i32
    %dma_start3A_188 = arith.constant 3 : i32
    %dma_start3A_189 = arith.constant 0 : i32
    %dma_start3A_190 = arith.constant 0 : i32
    %dma_start3A_191 = tpu.memref_slice %arg4[%dma_start3A_188, %dma_start3A_189, %dma_start3A_190] : memref<4x16x1024xf32, #tpu.memory_space<vmem>> -> memref<1x16x1024xf32, #tpu.memory_space<vmem>>
    %dma_start3A_192 = tpu.memref_squeeze %dma_start3A_191 : memref<1x16x1024xf32, #tpu.memory_space<vmem>> -> memref<16x1024xf32, #tpu.memory_space<vmem>>
    %dma_start3A_193 = arith.constant 0 : i32
    %dma_start3A_194 = tpu.memref_slice %arg3[%add3A_187, %dma_start3A_193] : memref<8192x1024xf32, #tpu.memory_space<hbm>> -> memref<16x1024xf32, #tpu.memory_space<hbm>>
    %dma_start3A_195 = arith.constant 0 : i32
    %dma_start3A_196 = tpu.memref_slice %arg3[%add3A_187, %dma_start3A_195] : memref<8192x1024xf32, #tpu.memory_space<hbm>> -> memref<16x1024xf32, #tpu.memory_space<hbm>>
    %dma_start3A_197 = arith.constant 0 : i32
    %dma_start3A_198 = arith.constant 0 : i32
    %dma_start3A_199 = tpu.memref_slice %arg4[%dma_start3A_188, %dma_start3A_197, %dma_start3A_198] : memref<4x16x1024xf32, #tpu.memory_space<vmem>> -> memref<1x16x1024xf32, #tpu.memory_space<vmem>>
    %dma_start3A_200 = tpu.memref_squeeze %dma_start3A_199 : memref<1x16x1024xf32, #tpu.memory_space<vmem>> -> memref<16x1024xf32, #tpu.memory_space<vmem>>
    tpu.enqueue_dma source(%dma_start3A_200 : memref<16x1024xf32, #tpu.memory_space<vmem>>) target(%dma_start3A_196 : memref<16x1024xf32, #tpu.memory_space<hbm>>) target_semaphore(%arg13 : memref<!tpu.dma_semaphore, #tpu.memory_space<semaphore_mem>>)
    %dma_wait3A_201 = arith.constant 1 : i32
    %dma_wait3A_202 = arith.constant 0 : i32
    %dma_wait3A_203 = arith.constant 0 : i32
    %dma_wait3A_204 = tpu.memref_slice %arg4[%dma_wait3A_201, %dma_wait3A_202, %dma_wait3A_203] : memref<4x16x1024xf32, #tpu.memory_space<vmem>> -> memref<1x16x1024xf32, #tpu.memory_space<vmem>>
    %dma_wait3A_205 = tpu.memref_squeeze %dma_wait3A_204 : memref<1x16x1024xf32, #tpu.memory_space<vmem>> -> memref<16x1024xf32, #tpu.memory_space<vmem>>
    %dma_wait3A_206 = arith.constant 0 : i32
    %dma_wait3A_207 = tpu.memref_slice %arg3[%add3A_88, %dma_wait3A_206] : memref<8192x1024xf32, #tpu.memory_space<hbm>> -> memref<16x1024xf32, #tpu.memory_space<hbm>>
    %dma_wait3A_208 = arith.constant 0 : i32
    %dma_wait3A_209 = tpu.memref_slice %arg3[%add3A_88, %dma_wait3A_208] : memref<8192x1024xf32, #tpu.memory_space<hbm>> -> memref<16x1024xf32, #tpu.memory_space<hbm>>
    %dma_wait3A_210 = arith.constant 0 : i32
    %dma_wait3A_211 = arith.constant 0 : i32
    %dma_wait3A_212 = tpu.memref_slice %arg4[%dma_wait3A_201, %dma_wait3A_210, %dma_wait3A_211] : memref<4x16x1024xf32, #tpu.memory_space<vmem>> -> memref<1x16x1024xf32, #tpu.memory_space<vmem>>
    %dma_wait3A_213 = tpu.memref_squeeze %dma_wait3A_212 : memref<1x16x1024xf32, #tpu.memory_space<vmem>> -> memref<16x1024xf32, #tpu.memory_space<vmem>>
    tpu.wait_dma2 semaphore(%arg11 : memref<!tpu.dma_semaphore, #tpu.memory_space<semaphore_mem>>) src(%dma_wait3A_213 : memref<16x1024xf32, #tpu.memory_space<vmem>>) dst(%dma_wait3A_209 : memref<16x1024xf32, #tpu.memory_space<hbm>>)
    %add3A_214 = arith.constant 80 : i32
    %add3A_215 = arith.addi %mul3A_2, %add3A_214 : i32
    %dma_start3A_216 = arith.constant 1 : i32
    %dma_start3A_217 = arith.constant 0 : i32
    %dma_start3A_218 = arith.constant 0 : i32
    %dma_start3A_219 = tpu.memref_slice %arg4[%dma_start3A_216, %dma_start3A_217, %dma_start3A_218] : memref<4x16x1024xf32, #tpu.memory_space<vmem>> -> memref<1x16x1024xf32, #tpu.memory_space<vmem>>
    %dma_start3A_220 = tpu.memref_squeeze %dma_start3A_219 : memref<1x16x1024xf32, #tpu.memory_space<vmem>> -> memref<16x1024xf32, #tpu.memory_space<vmem>>
    %dma_start3A_221 = arith.constant 0 : i32
    %dma_start3A_222 = tpu.memref_slice %arg2[%add3A_215, %dma_start3A_221] : memref<8192x1024xf32, #tpu.memory_space<hbm>> -> memref<16x1024xf32, #tpu.memory_space<hbm>>
    %dma_start3A_223 = arith.constant 0 : i32
    %dma_start3A_224 = arith.constant 0 : i32
    %dma_start3A_225 = tpu.memref_slice %arg4[%dma_start3A_216, %dma_start3A_223, %dma_start3A_224] : memref<4x16x1024xf32, #tpu.memory_space<vmem>> -> memref<1x16x1024xf32, #tpu.memory_space<vmem>>
    %dma_start3A_226 = tpu.memref_squeeze %dma_start3A_225 : memref<1x16x1024xf32, #tpu.memory_space<vmem>> -> memref<16x1024xf32, #tpu.memory_space<vmem>>
    %dma_start3A_227 = arith.constant 0 : i32
    %dma_start3A_228 = tpu.memref_slice %arg2[%add3A_215, %dma_start3A_227] : memref<8192x1024xf32, #tpu.memory_space<hbm>> -> memref<16x1024xf32, #tpu.memory_space<hbm>>
    tpu.enqueue_dma source(%dma_start3A_228 : memref<16x1024xf32, #tpu.memory_space<hbm>>) target(%dma_start3A_226 : memref<16x1024xf32, #tpu.memory_space<vmem>>) target_semaphore(%arg7 : memref<!tpu.dma_semaphore, #tpu.memory_space<semaphore_mem>>)
    %dma_wait3A_229 = arith.constant 0 : i32
    %dma_wait3A_230 = arith.constant 0 : i32
    %dma_wait3A_231 = arith.constant 0 : i32
    %dma_wait3A_232 = tpu.memref_slice %arg4[%dma_wait3A_229, %dma_wait3A_230, %dma_wait3A_231] : memref<4x16x1024xf32, #tpu.memory_space<vmem>> -> memref<1x16x1024xf32, #tpu.memory_space<vmem>>
    %dma_wait3A_233 = tpu.memref_squeeze %dma_wait3A_232 : memref<1x16x1024xf32, #tpu.memory_space<vmem>> -> memref<16x1024xf32, #tpu.memory_space<vmem>>
    %dma_wait3A_234 = arith.constant 0 : i32
    %dma_wait3A_235 = tpu.memref_slice %arg2[%add3A_159, %dma_wait3A_234] : memref<8192x1024xf32, #tpu.memory_space<hbm>> -> memref<16x1024xf32, #tpu.memory_space<hbm>>
    %dma_wait3A_236 = arith.constant 0 : i32
    %dma_wait3A_237 = arith.constant 0 : i32
    %dma_wait3A_238 = tpu.memref_slice %arg4[%dma_wait3A_229, %dma_wait3A_236, %dma_wait3A_237] : memref<4x16x1024xf32, #tpu.memory_space<vmem>> -> memref<1x16x1024xf32, #tpu.memory_space<vmem>>
    %dma_wait3A_239 = tpu.memref_squeeze %dma_wait3A_238 : memref<1x16x1024xf32, #tpu.memory_space<vmem>> -> memref<16x1024xf32, #tpu.memory_space<vmem>>
    %dma_wait3A_240 = arith.constant 0 : i32
    %dma_wait3A_241 = tpu.memref_slice %arg2[%add3A_159, %dma_wait3A_240] : memref<8192x1024xf32, #tpu.memory_space<hbm>> -> memref<16x1024xf32, #tpu.memory_space<hbm>>
    tpu.wait_dma2 semaphore(%arg6 : memref<!tpu.dma_semaphore, #tpu.memory_space<semaphore_mem>>) src(%dma_wait3A_241 : memref<16x1024xf32, #tpu.memory_space<hbm>>) dst(%dma_wait3A_239 : memref<16x1024xf32, #tpu.memory_space<vmem>>)
    %add3A_242 = arith.constant 64 : i32
    %add3A_243 = arith.addi %mul3A_2, %add3A_242 : i32
    %dma_start3A_244 = arith.constant 0 : i32
    %dma_start3A_245 = arith.constant 0 : i32
    %dma_start3A_246 = arith.constant 0 : i32
    %dma_start3A_247 = tpu.memref_slice %arg4[%dma_start3A_244, %dma_start3A_245, %dma_start3A_246] : memref<4x16x1024xf32, #tpu.memory_space<vmem>> -> memref<1x16x1024xf32, #tpu.memory_space<vmem>>
    %dma_start3A_248 = tpu.memref_squeeze %dma_start3A_247 : memref<1x16x1024xf32, #tpu.memory_space<vmem>> -> memref<16x1024xf32, #tpu.memory_space<vmem>>
    %dma_start3A_249 = arith.constant 0 : i32
    %dma_start3A_250 = tpu.memref_slice %arg3[%add3A_243, %dma_start3A_249] : memref<8192x1024xf32, #tpu.memory_space<hbm>> -> memref<16x1024xf32, #tpu.memory_space<hbm>>
    %dma_start3A_251 = arith.constant 0 : i32
    %dma_start3A_252 = tpu.memref_slice %arg3[%add3A_243, %dma_start3A_251] : memref<8192x1024xf32, #tpu.memory_space<hbm>> -> memref<16x1024xf32, #tpu.memory_space<hbm>>
    %dma_start3A_253 = arith.constant 0 : i32
    %dma_start3A_254 = arith.constant 0 : i32
    %dma_start3A_255 = tpu.memref_slice %arg4[%dma_start3A_244, %dma_start3A_253, %dma_start3A_254] : memref<4x16x1024xf32, #tpu.memory_space<vmem>> -> memref<1x16x1024xf32, #tpu.memory_space<vmem>>
    %dma_start3A_256 = tpu.memref_squeeze %dma_start3A_255 : memref<1x16x1024xf32, #tpu.memory_space<vmem>> -> memref<16x1024xf32, #tpu.memory_space<vmem>>
    tpu.enqueue_dma source(%dma_start3A_256 : memref<16x1024xf32, #tpu.memory_space<vmem>>) target(%dma_start3A_252 : memref<16x1024xf32, #tpu.memory_space<hbm>>) target_semaphore(%arg10 : memref<!tpu.dma_semaphore, #tpu.memory_space<semaphore_mem>>)
    %dma_wait3A_257 = arith.constant 2 : i32
    %dma_wait3A_258 = arith.constant 0 : i32
    %dma_wait3A_259 = arith.constant 0 : i32
    %dma_wait3A_260 = tpu.memref_slice %arg4[%dma_wait3A_257, %dma_wait3A_258, %dma_wait3A_259] : memref<4x16x1024xf32, #tpu.memory_space<vmem>> -> memref<1x16x1024xf32, #tpu.memory_space<vmem>>
    %dma_wait3A_261 = tpu.memref_squeeze %dma_wait3A_260 : memref<1x16x1024xf32, #tpu.memory_space<vmem>> -> memref<16x1024xf32, #tpu.memory_space<vmem>>
    %dma_wait3A_262 = arith.constant 0 : i32
    %dma_wait3A_263 = tpu.memref_slice %arg3[%add3A_131, %dma_wait3A_262] : memref<8192x1024xf32, #tpu.memory_space<hbm>> -> memref<16x1024xf32, #tpu.memory_space<hbm>>
    %dma_wait3A_264 = arith.constant 0 : i32
    %dma_wait3A_265 = tpu.memref_slice %arg3[%add3A_131, %dma_wait3A_264] : memref<8192x1024xf32, #tpu.memory_space<hbm>> -> memref<16x1024xf32, #tpu.memory_space<hbm>>
    %dma_wait3A_266 = arith.constant 0 : i32
    %dma_wait3A_267 = arith.constant 0 : i32
    %dma_wait3A_268 = tpu.memref_slice %arg4[%dma_wait3A_257, %dma_wait3A_266, %dma_wait3A_267] : memref<4x16x1024xf32, #tpu.memory_space<vmem>> -> memref<1x16x1024xf32, #tpu.memory_space<vmem>>
    %dma_wait3A_269 = tpu.memref_squeeze %dma_wait3A_268 : memref<1x16x1024xf32, #tpu.memory_space<vmem>> -> memref<16x1024xf32, #tpu.memory_space<vmem>>
    tpu.wait_dma2 semaphore(%arg12 : memref<!tpu.dma_semaphore, #tpu.memory_space<semaphore_mem>>) src(%dma_wait3A_269 : memref<16x1024xf32, #tpu.memory_space<vmem>>) dst(%dma_wait3A_265 : memref<16x1024xf32, #tpu.memory_space<hbm>>)
    %add3A_270 = arith.constant 96 : i32
    %add3A_271 = arith.addi %mul3A_2, %add3A_270 : i32
    %dma_start3A_272 = arith.constant 2 : i32
    %dma_start3A_273 = arith.constant 0 : i32
    %dma_start3A_274 = arith.constant 0 : i32
    %dma_start3A_275 = tpu.memref_slice %arg4[%dma_start3A_272, %dma_start3A_273, %dma_start3A_274] : memref<4x16x1024xf32, #tpu.memory_space<vmem>> -> memref<1x16x1024xf32, #tpu.memory_space<vmem>>
    %dma_start3A_276 = tpu.memref_squeeze %dma_start3A_275 : memref<1x16x1024xf32, #tpu.memory_space<vmem>> -> memref<16x1024xf32, #tpu.memory_space<vmem>>
    %dma_start3A_277 = arith.constant 0 : i32
    %dma_start3A_278 = tpu.memref_slice %arg2[%add3A_271, %dma_start3A_277] : memref<8192x1024xf32, #tpu.memory_space<hbm>> -> memref<16x1024xf32, #tpu.memory_space<hbm>>
    %dma_start3A_279 = arith.constant 0 : i32
    %dma_start3A_280 = arith.constant 0 : i32
    %dma_start3A_281 = tpu.memref_slice %arg4[%dma_start3A_272, %dma_start3A_279, %dma_start3A_280] : memref<4x16x1024xf32, #tpu.memory_space<vmem>> -> memref<1x16x1024xf32, #tpu.memory_space<vmem>>
    %dma_start3A_282 = tpu.memref_squeeze %dma_start3A_281 : memref<1x16x1024xf32, #tpu.memory_space<vmem>> -> memref<16x1024xf32, #tpu.memory_space<vmem>>
    %dma_start3A_283 = arith.constant 0 : i32
    %dma_start3A_284 = tpu.memref_slice %arg2[%add3A_271, %dma_start3A_283] : memref<8192x1024xf32, #tpu.memory_space<hbm>> -> memref<16x1024xf32, #tpu.memory_space<hbm>>
    tpu.enqueue_dma source(%dma_start3A_284 : memref<16x1024xf32, #tpu.memory_space<hbm>>) target(%dma_start3A_282 : memref<16x1024xf32, #tpu.memory_space<vmem>>) target_semaphore(%arg8 : memref<!tpu.dma_semaphore, #tpu.memory_space<semaphore_mem>>)
    %dma_wait3A_285 = arith.constant 1 : i32
    %dma_wait3A_286 = arith.constant 0 : i32
    %dma_wait3A_287 = arith.constant 0 : i32
    %dma_wait3A_288 = tpu.memref_slice %arg4[%dma_wait3A_285, %dma_wait3A_286, %dma_wait3A_287] : memref<4x16x1024xf32, #tpu.memory_space<vmem>> -> memref<1x16x1024xf32, #tpu.memory_space<vmem>>
    %dma_wait3A_289 = tpu.memref_squeeze %dma_wait3A_288 : memref<1x16x1024xf32, #tpu.memory_space<vmem>> -> memref<16x1024xf32, #tpu.memory_space<vmem>>
    %dma_wait3A_290 = arith.constant 0 : i32
    %dma_wait3A_291 = tpu.memref_slice %arg2[%add3A_215, %dma_wait3A_290] : memref<8192x1024xf32, #tpu.memory_space<hbm>> -> memref<16x1024xf32, #tpu.memory_space<hbm>>
    %dma_wait3A_292 = arith.constant 0 : i32
    %dma_wait3A_293 = arith.constant 0 : i32
    %dma_wait3A_294 = tpu.memref_slice %arg4[%dma_wait3A_285, %dma_wait3A_292, %dma_wait3A_293] : memref<4x16x1024xf32, #tpu.memory_space<vmem>> -> memref<1x16x1024xf32, #tpu.memory_space<vmem>>
    %dma_wait3A_295 = tpu.memref_squeeze %dma_wait3A_294 : memref<1x16x1024xf32, #tpu.memory_space<vmem>> -> memref<16x1024xf32, #tpu.memory_space<vmem>>
    %dma_wait3A_296 = arith.constant 0 : i32
    %dma_wait3A_297 = tpu.memref_slice %arg2[%add3A_215, %dma_wait3A_296] : memref<8192x1024xf32, #tpu.memory_space<hbm>> -> memref<16x1024xf32, #tpu.memory_space<hbm>>
    tpu.wait_dma2 semaphore(%arg7 : memref<!tpu.dma_semaphore, #tpu.memory_space<semaphore_mem>>) src(%dma_wait3A_297 : memref<16x1024xf32, #tpu.memory_space<hbm>>) dst(%dma_wait3A_295 : memref<16x1024xf32, #tpu.memory_space<vmem>>)
    %add3A_298 = arith.constant 80 : i32
    %add3A_299 = arith.addi %mul3A_2, %add3A_298 : i32
    %dma_start3A_300 = arith.constant 1 : i32
    %dma_start3A_301 = arith.constant 0 : i32
    %dma_start3A_302 = arith.constant 0 : i32
    %dma_start3A_303 = tpu.memref_slice %arg4[%dma_start3A_300, %dma_start3A_301, %dma_start3A_302] : memref<4x16x1024xf32, #tpu.memory_space<vmem>> -> memref<1x16x1024xf32, #tpu.memory_space<vmem>>
    %dma_start3A_304 = tpu.memref_squeeze %dma_start3A_303 : memref<1x16x1024xf32, #tpu.memory_space<vmem>> -> memref<16x1024xf32, #tpu.memory_space<vmem>>
    %dma_start3A_305 = arith.constant 0 : i32
    %dma_start3A_306 = tpu.memref_slice %arg3[%add3A_299, %dma_start3A_305] : memref<8192x1024xf32, #tpu.memory_space<hbm>> -> memref<16x1024xf32, #tpu.memory_space<hbm>>
    %dma_start3A_307 = arith.constant 0 : i32
    %dma_start3A_308 = tpu.memref_slice %arg3[%add3A_299, %dma_start3A_307] : memref<8192x1024xf32, #tpu.memory_space<hbm>> -> memref<16x1024xf32, #tpu.memory_space<hbm>>
    %dma_start3A_309 = arith.constant 0 : i32
    %dma_start3A_310 = arith.constant 0 : i32
    %dma_start3A_311 = tpu.memref_slice %arg4[%dma_start3A_300, %dma_start3A_309, %dma_start3A_310] : memref<4x16x1024xf32, #tpu.memory_space<vmem>> -> memref<1x16x1024xf32, #tpu.memory_space<vmem>>
    %dma_start3A_312 = tpu.memref_squeeze %dma_start3A_311 : memref<1x16x1024xf32, #tpu.memory_space<vmem>> -> memref<16x1024xf32, #tpu.memory_space<vmem>>
    tpu.enqueue_dma source(%dma_start3A_312 : memref<16x1024xf32, #tpu.memory_space<vmem>>) target(%dma_start3A_308 : memref<16x1024xf32, #tpu.memory_space<hbm>>) target_semaphore(%arg11 : memref<!tpu.dma_semaphore, #tpu.memory_space<semaphore_mem>>)
    %dma_wait3A_313 = arith.constant 3 : i32
    %dma_wait3A_314 = arith.constant 0 : i32
    %dma_wait3A_315 = arith.constant 0 : i32
    %dma_wait3A_316 = tpu.memref_slice %arg4[%dma_wait3A_313, %dma_wait3A_314, %dma_wait3A_315] : memref<4x16x1024xf32, #tpu.memory_space<vmem>> -> memref<1x16x1024xf32, #tpu.memory_space<vmem>>
    %dma_wait3A_317 = tpu.memref_squeeze %dma_wait3A_316 : memref<1x16x1024xf32, #tpu.memory_space<vmem>> -> memref<16x1024xf32, #tpu.memory_space<vmem>>
    %dma_wait3A_318 = arith.constant 0 : i32
    %dma_wait3A_319 = tpu.memref_slice %arg3[%add3A_187, %dma_wait3A_318] : memref<8192x1024xf32, #tpu.memory_space<hbm>> -> memref<16x1024xf32, #tpu.memory_space<hbm>>
    %dma_wait3A_320 = arith.constant 0 : i32
    %dma_wait3A_321 = tpu.memref_slice %arg3[%add3A_187, %dma_wait3A_320] : memref<8192x1024xf32, #tpu.memory_space<hbm>> -> memref<16x1024xf32, #tpu.memory_space<hbm>>
    %dma_wait3A_322 = arith.constant 0 : i32
    %dma_wait3A_323 = arith.constant 0 : i32
    %dma_wait3A_324 = tpu.memref_slice %arg4[%dma_wait3A_313, %dma_wait3A_322, %dma_wait3A_323] : memref<4x16x1024xf32, #tpu.memory_space<vmem>> -> memref<1x16x1024xf32, #tpu.memory_space<vmem>>
    %dma_wait3A_325 = tpu.memref_squeeze %dma_wait3A_324 : memref<1x16x1024xf32, #tpu.memory_space<vmem>> -> memref<16x1024xf32, #tpu.memory_space<vmem>>
    tpu.wait_dma2 semaphore(%arg13 : memref<!tpu.dma_semaphore, #tpu.memory_space<semaphore_mem>>) src(%dma_wait3A_325 : memref<16x1024xf32, #tpu.memory_space<vmem>>) dst(%dma_wait3A_321 : memref<16x1024xf32, #tpu.memory_space<hbm>>)
    %add3A_326 = arith.constant 112 : i32
    %add3A_327 = arith.addi %mul3A_2, %add3A_326 : i32
    %dma_start3A_328 = arith.constant 3 : i32
    %dma_start3A_329 = arith.constant 0 : i32
    %dma_start3A_330 = arith.constant 0 : i32
    %dma_start3A_331 = tpu.memref_slice %arg4[%dma_start3A_328, %dma_start3A_329, %dma_start3A_330] : memref<4x16x1024xf32, #tpu.memory_space<vmem>> -> memref<1x16x1024xf32, #tpu.memory_space<vmem>>
    %dma_start3A_332 = tpu.memref_squeeze %dma_start3A_331 : memref<1x16x1024xf32, #tpu.memory_space<vmem>> -> memref<16x1024xf32, #tpu.memory_space<vmem>>
    %dma_start3A_333 = arith.constant 0 : i32
    %dma_start3A_334 = tpu.memref_slice %arg2[%add3A_327, %dma_start3A_333] : memref<8192x1024xf32, #tpu.memory_space<hbm>> -> memref<16x1024xf32, #tpu.memory_space<hbm>>
    %dma_start3A_335 = arith.constant 0 : i32
    %dma_start3A_336 = arith.constant 0 : i32
    %dma_start3A_337 = tpu.memref_slice %arg4[%dma_start3A_328, %dma_start3A_335, %dma_start3A_336] : memref<4x16x1024xf32, #tpu.memory_space<vmem>> -> memref<1x16x1024xf32, #tpu.memory_space<vmem>>
    %dma_start3A_338 = tpu.memref_squeeze %dma_start3A_337 : memref<1x16x1024xf32, #tpu.memory_space<vmem>> -> memref<16x1024xf32, #tpu.memory_space<vmem>>
    %dma_start3A_339 = arith.constant 0 : i32
    %dma_start3A_340 = tpu.memref_slice %arg2[%add3A_327, %dma_start3A_339] : memref<8192x1024xf32, #tpu.memory_space<hbm>> -> memref<16x1024xf32, #tpu.memory_space<hbm>>
    tpu.enqueue_dma source(%dma_start3A_340 : memref<16x1024xf32, #tpu.memory_space<hbm>>) target(%dma_start3A_338 : memref<16x1024xf32, #tpu.memory_space<vmem>>) target_semaphore(%arg9 : memref<!tpu.dma_semaphore, #tpu.memory_space<semaphore_mem>>)
    %dma_wait3A_341 = arith.constant 2 : i32
    %dma_wait3A_342 = arith.constant 0 : i32
    %dma_wait3A_343 = arith.constant 0 : i32
    %dma_wait3A_344 = tpu.memref_slice %arg4[%dma_wait3A_341, %dma_wait3A_342, %dma_wait3A_343] : memref<4x16x1024xf32, #tpu.memory_space<vmem>> -> memref<1x16x1024xf32, #tpu.memory_space<vmem>>
    %dma_wait3A_345 = tpu.memref_squeeze %dma_wait3A_344 : memref<1x16x1024xf32, #tpu.memory_space<vmem>> -> memref<16x1024xf32, #tpu.memory_space<vmem>>
    %dma_wait3A_346 = arith.constant 0 : i32
    %dma_wait3A_347 = tpu.memref_slice %arg2[%add3A_271, %dma_wait3A_346] : memref<8192x1024xf32, #tpu.memory_space<hbm>> -> memref<16x1024xf32, #tpu.memory_space<hbm>>
    %dma_wait3A_348 = arith.constant 0 : i32
    %dma_wait3A_349 = arith.constant 0 : i32
    %dma_wait3A_350 = tpu.memref_slice %arg4[%dma_wait3A_341, %dma_wait3A_348, %dma_wait3A_349] : memref<4x16x1024xf32, #tpu.memory_space<vmem>> -> memref<1x16x1024xf32, #tpu.memory_space<vmem>>
    %dma_wait3A_351 = tpu.memref_squeeze %dma_wait3A_350 : memref<1x16x1024xf32, #tpu.memory_space<vmem>> -> memref<16x1024xf32, #tpu.memory_space<vmem>>
    %dma_wait3A_352 = arith.constant 0 : i32
    %dma_wait3A_353 = tpu.memref_slice %arg2[%add3A_271, %dma_wait3A_352] : memref<8192x1024xf32, #tpu.memory_space<hbm>> -> memref<16x1024xf32, #tpu.memory_space<hbm>>
    tpu.wait_dma2 semaphore(%arg8 : memref<!tpu.dma_semaphore, #tpu.memory_space<semaphore_mem>>) src(%dma_wait3A_353 : memref<16x1024xf32, #tpu.memory_space<hbm>>) dst(%dma_wait3A_351 : memref<16x1024xf32, #tpu.memory_space<vmem>>)
    %add3A_354 = arith.constant 96 : i32
    %add3A_355 = arith.addi %mul3A_2, %add3A_354 : i32
    %dma_start3A_356 = arith.constant 2 : i32
    %dma_start3A_357 = arith.constant 0 : i32
    %dma_start3A_358 = arith.constant 0 : i32
    %dma_start3A_359 = tpu.memref_slice %arg4[%dma_start3A_356, %dma_start3A_357, %dma_start3A_358] : memref<4x16x1024xf32, #tpu.memory_space<vmem>> -> memref<1x16x1024xf32, #tpu.memory_space<vmem>>
    %dma_start3A_360 = tpu.memref_squeeze %dma_start3A_359 : memref<1x16x1024xf32, #tpu.memory_space<vmem>> -> memref<16x1024xf32, #tpu.memory_space<vmem>>
    %dma_start3A_361 = arith.constant 0 : i32
    %dma_start3A_362 = tpu.memref_slice %arg3[%add3A_355, %dma_start3A_361] : memref<8192x1024xf32, #tpu.memory_space<hbm>> -> memref<16x1024xf32, #tpu.memory_space<hbm>>
    %dma_start3A_363 = arith.constant 0 : i32
    %dma_start3A_364 = tpu.memref_slice %arg3[%add3A_355, %dma_start3A_363] : memref<8192x1024xf32, #tpu.memory_space<hbm>> -> memref<16x1024xf32, #tpu.memory_space<hbm>>
    %dma_start3A_365 = arith.constant 0 : i32
    %dma_start3A_366 = arith.constant 0 : i32
    %dma_start3A_367 = tpu.memref_slice %arg4[%dma_start3A_356, %dma_start3A_365, %dma_start3A_366] : memref<4x16x1024xf32, #tpu.memory_space<vmem>> -> memref<1x16x1024xf32, #tpu.memory_space<vmem>>
    %dma_start3A_368 = tpu.memref_squeeze %dma_start3A_367 : memref<1x16x1024xf32, #tpu.memory_space<vmem>> -> memref<16x1024xf32, #tpu.memory_space<vmem>>
    tpu.enqueue_dma source(%dma_start3A_368 : memref<16x1024xf32, #tpu.memory_space<vmem>>) target(%dma_start3A_364 : memref<16x1024xf32, #tpu.memory_space<hbm>>) target_semaphore(%arg12 : memref<!tpu.dma_semaphore, #tpu.memory_space<semaphore_mem>>)
    %dma_wait3A_369 = arith.constant 0 : i32
    %dma_wait3A_370 = arith.constant 0 : i32
    %dma_wait3A_371 = arith.constant 0 : i32
    %dma_wait3A_372 = tpu.memref_slice %arg4[%dma_wait3A_369, %dma_wait3A_370, %dma_wait3A_371] : memref<4x16x1024xf32, #tpu.memory_space<vmem>> -> memref<1x16x1024xf32, #tpu.memory_space<vmem>>
    %dma_wait3A_373 = tpu.memref_squeeze %dma_wait3A_372 : memref<1x16x1024xf32, #tpu.memory_space<vmem>> -> memref<16x1024xf32, #tpu.memory_space<vmem>>
    %dma_wait3A_374 = arith.constant 0 : i32
    %dma_wait3A_375 = tpu.memref_slice %arg3[%add3A_243, %dma_wait3A_374] : memref<8192x1024xf32, #tpu.memory_space<hbm>> -> memref<16x1024xf32, #tpu.memory_space<hbm>>
    %dma_wait3A_376 = arith.constant 0 : i32
    %dma_wait3A_377 = tpu.memref_slice %arg3[%add3A_243, %dma_wait3A_376] : memref<8192x1024xf32, #tpu.memory_space<hbm>> -> memref<16x1024xf32, #tpu.memory_space<hbm>>
    %dma_wait3A_378 = arith.constant 0 : i32
    %dma_wait3A_379 = arith.constant 0 : i32
    %dma_wait3A_380 = tpu.memref_slice %arg4[%dma_wait3A_369, %dma_wait3A_378, %dma_wait3A_379] : memref<4x16x1024xf32, #tpu.memory_space<vmem>> -> memref<1x16x1024xf32, #tpu.memory_space<vmem>>
    %dma_wait3A_381 = tpu.memref_squeeze %dma_wait3A_380 : memref<1x16x1024xf32, #tpu.memory_space<vmem>> -> memref<16x1024xf32, #tpu.memory_space<vmem>>
    tpu.wait_dma2 semaphore(%arg10 : memref<!tpu.dma_semaphore, #tpu.memory_space<semaphore_mem>>) src(%dma_wait3A_381 : memref<16x1024xf32, #tpu.memory_space<vmem>>) dst(%dma_wait3A_377 : memref<16x1024xf32, #tpu.memory_space<hbm>>)
    %add3A_382 = arith.constant 128 : i32
    %add3A_383 = arith.addi %mul3A_2, %add3A_382 : i32
    %dma_start3A_384 = arith.constant 0 : i32
    %dma_start3A_385 = arith.constant 0 : i32
    %dma_start3A_386 = arith.constant 0 : i32
    %dma_start3A_387 = tpu.memref_slice %arg4[%dma_start3A_384, %dma_start3A_385, %dma_start3A_386] : memref<4x16x1024xf32, #tpu.memory_space<vmem>> -> memref<1x16x1024xf32, #tpu.memory_space<vmem>>
    %dma_start3A_388 = tpu.memref_squeeze %dma_start3A_387 : memref<1x16x1024xf32, #tpu.memory_space<vmem>> -> memref<16x1024xf32, #tpu.memory_space<vmem>>
    %dma_start3A_389 = arith.constant 0 : i32
    %dma_start3A_390 = tpu.memref_slice %arg2[%add3A_383, %dma_start3A_389] : memref<8192x1024xf32, #tpu.memory_space<hbm>> -> memref<16x1024xf32, #tpu.memory_space<hbm>>
    %dma_start3A_391 = arith.constant 0 : i32
    %dma_start3A_392 = arith.constant 0 : i32
    %dma_start3A_393 = tpu.memref_slice %arg4[%dma_start3A_384, %dma_start3A_391, %dma_start3A_392] : memref<4x16x1024xf32, #tpu.memory_space<vmem>> -> memref<1x16x1024xf32, #tpu.memory_space<vmem>>
    %dma_start3A_394 = tpu.memref_squeeze %dma_start3A_393 : memref<1x16x1024xf32, #tpu.memory_space<vmem>> -> memref<16x1024xf32, #tpu.memory_space<vmem>>
    %dma_start3A_395 = arith.constant 0 : i32
    %dma_start3A_396 = tpu.memref_slice %arg2[%add3A_383, %dma_start3A_395] : memref<8192x1024xf32, #tpu.memory_space<hbm>> -> memref<16x1024xf32, #tpu.memory_space<hbm>>
    tpu.enqueue_dma source(%dma_start3A_396 : memref<16x1024xf32, #tpu.memory_space<hbm>>) target(%dma_start3A_394 : memref<16x1024xf32, #tpu.memory_space<vmem>>) target_semaphore(%arg6 : memref<!tpu.dma_semaphore, #tpu.memory_space<semaphore_mem>>)
    %dma_wait3A_397 = arith.constant 3 : i32
    %dma_wait3A_398 = arith.constant 0 : i32
    %dma_wait3A_399 = arith.constant 0 : i32
    %dma_wait3A_400 = tpu.memref_slice %arg4[%dma_wait3A_397, %dma_wait3A_398, %dma_wait3A_399] : memref<4x16x1024xf32, #tpu.memory_space<vmem>> -> memref<1x16x1024xf32, #tpu.memory_space<vmem>>
    %dma_wait3A_401 = tpu.memref_squeeze %dma_wait3A_400 : memref<1x16x1024xf32, #tpu.memory_space<vmem>> -> memref<16x1024xf32, #tpu.memory_space<vmem>>
    %dma_wait3A_402 = arith.constant 0 : i32
    %dma_wait3A_403 = tpu.memref_slice %arg2[%add3A_327, %dma_wait3A_402] : memref<8192x1024xf32, #tpu.memory_space<hbm>> -> memref<16x1024xf32, #tpu.memory_space<hbm>>
    %dma_wait3A_404 = arith.constant 0 : i32
    %dma_wait3A_405 = arith.constant 0 : i32
    %dma_wait3A_406 = tpu.memref_slice %arg4[%dma_wait3A_397, %dma_wait3A_404, %dma_wait3A_405] : memref<4x16x1024xf32, #tpu.memory_space<vmem>> -> memref<1x16x1024xf32, #tpu.memory_space<vmem>>
    %dma_wait3A_407 = tpu.memref_squeeze %dma_wait3A_406 : memref<1x16x1024xf32, #tpu.memory_space<vmem>> -> memref<16x1024xf32, #tpu.memory_space<vmem>>
    %dma_wait3A_408 = arith.constant 0 : i32
    %dma_wait3A_409 = tpu.memref_slice %arg2[%add3A_327, %dma_wait3A_408] : memref<8192x1024xf32, #tpu.memory_space<hbm>> -> memref<16x1024xf32, #tpu.memory_space<hbm>>
    tpu.wait_dma2 semaphore(%arg9 : memref<!tpu.dma_semaphore, #tpu.memory_space<semaphore_mem>>) src(%dma_wait3A_409 : memref<16x1024xf32, #tpu.memory_space<hbm>>) dst(%dma_wait3A_407 : memref<16x1024xf32, #tpu.memory_space<vmem>>)
    %add3A_410 = arith.constant 112 : i32
    %add3A_411 = arith.addi %mul3A_2, %add3A_410 : i32
    %dma_start3A_412 = arith.constant 3 : i32
    %dma_start3A_413 = arith.constant 0 : i32
    %dma_start3A_414 = arith.constant 0 : i32
    %dma_start3A_415 = tpu.memref_slice %arg4[%dma_start3A_412, %dma_start3A_413, %dma_start3A_414] : memref<4x16x1024xf32, #tpu.memory_space<vmem>> -> memref<1x16x1024xf32, #tpu.memory_space<vmem>>
    %dma_start3A_416 = tpu.memref_squeeze %dma_start3A_415 : memref<1x16x1024xf32, #tpu.memory_space<vmem>> -> memref<16x1024xf32, #tpu.memory_space<vmem>>
    %dma_start3A_417 = arith.constant 0 : i32
    %dma_start3A_418 = tpu.memref_slice %arg3[%add3A_411, %dma_start3A_417] : memref<8192x1024xf32, #tpu.memory_space<hbm>> -> memref<16x1024xf32, #tpu.memory_space<hbm>>
    %dma_start3A_419 = arith.constant 0 : i32
    %dma_start3A_420 = tpu.memref_slice %arg3[%add3A_411, %dma_start3A_419] : memref<8192x1024xf32, #tpu.memory_space<hbm>> -> memref<16x1024xf32, #tpu.memory_space<hbm>>
    %dma_start3A_421 = arith.constant 0 : i32
    %dma_start3A_422 = arith.constant 0 : i32
    %dma_start3A_423 = tpu.memref_slice %arg4[%dma_start3A_412, %dma_start3A_421, %dma_start3A_422] : memref<4x16x1024xf32, #tpu.memory_space<vmem>> -> memref<1x16x1024xf32, #tpu.memory_space<vmem>>
    %dma_start3A_424 = tpu.memref_squeeze %dma_start3A_423 : memref<1x16x1024xf32, #tpu.memory_space<vmem>> -> memref<16x1024xf32, #tpu.memory_space<vmem>>
    tpu.enqueue_dma source(%dma_start3A_424 : memref<16x1024xf32, #tpu.memory_space<vmem>>) target(%dma_start3A_420 : memref<16x1024xf32, #tpu.memory_space<hbm>>) target_semaphore(%arg13 : memref<!tpu.dma_semaphore, #tpu.memory_space<semaphore_mem>>)
    %dma_wait3A_425 = arith.constant 1 : i32
    %dma_wait3A_426 = arith.constant 0 : i32
    %dma_wait3A_427 = arith.constant 0 : i32
    %dma_wait3A_428 = tpu.memref_slice %arg4[%dma_wait3A_425, %dma_wait3A_426, %dma_wait3A_427] : memref<4x16x1024xf32, #tpu.memory_space<vmem>> -> memref<1x16x1024xf32, #tpu.memory_space<vmem>>
    %dma_wait3A_429 = tpu.memref_squeeze %dma_wait3A_428 : memref<1x16x1024xf32, #tpu.memory_space<vmem>> -> memref<16x1024xf32, #tpu.memory_space<vmem>>
    %dma_wait3A_430 = arith.constant 0 : i32
    %dma_wait3A_431 = tpu.memref_slice %arg3[%add3A_299, %dma_wait3A_430] : memref<8192x1024xf32, #tpu.memory_space<hbm>> -> memref<16x1024xf32, #tpu.memory_space<hbm>>
    %dma_wait3A_432 = arith.constant 0 : i32
    %dma_wait3A_433 = tpu.memref_slice %arg3[%add3A_299, %dma_wait3A_432] : memref<8192x1024xf32, #tpu.memory_space<hbm>> -> memref<16x1024xf32, #tpu.memory_space<hbm>>
    %dma_wait3A_434 = arith.constant 0 : i32
    %dma_wait3A_435 = arith.constant 0 : i32
    %dma_wait3A_436 = tpu.memref_slice %arg4[%dma_wait3A_425, %dma_wait3A_434, %dma_wait3A_435] : memref<4x16x1024xf32, #tpu.memory_space<vmem>> -> memref<1x16x1024xf32, #tpu.memory_space<vmem>>
    %dma_wait3A_437 = tpu.memref_squeeze %dma_wait3A_436 : memref<1x16x1024xf32, #tpu.memory_space<vmem>> -> memref<16x1024xf32, #tpu.memory_space<vmem>>
    tpu.wait_dma2 semaphore(%arg11 : memref<!tpu.dma_semaphore, #tpu.memory_space<semaphore_mem>>) src(%dma_wait3A_437 : memref<16x1024xf32, #tpu.memory_space<vmem>>) dst(%dma_wait3A_433 : memref<16x1024xf32, #tpu.memory_space<hbm>>)
    %add3A_438 = arith.constant 144 : i32
    %add3A_439 = arith.addi %mul3A_2, %add3A_438 : i32
    %dma_start3A_440 = arith.constant 1 : i32
    %dma_start3A_441 = arith.constant 0 : i32
    %dma_start3A_442 = arith.constant 0 : i32
    %dma_start3A_443 = tpu.memref_slice %arg4[%dma_start3A_440, %dma_start3A_441, %dma_start3A_442] : memref<4x16x1024xf32, #tpu.memory_space<vmem>> -> memref<1x16x1024xf32, #tpu.memory_space<vmem>>
    %dma_start3A_444 = tpu.memref_squeeze %dma_start3A_443 : memref<1x16x1024xf32, #tpu.memory_space<vmem>> -> memref<16x1024xf32, #tpu.memory_space<vmem>>
    %dma_start3A_445 = arith.constant 0 : i32
    %dma_start3A_446 = tpu.memref_slice %arg2[%add3A_439, %dma_start3A_445] : memref<8192x1024xf32, #tpu.memory_space<hbm>> -> memref<16x1024xf32, #tpu.memory_space<hbm>>
    %dma_start3A_447 = arith.constant 0 : i32
    %dma_start3A_448 = arith.constant 0 : i32
    %dma_start3A_449 = tpu.memref_slice %arg4[%dma_start3A_440, %dma_start3A_447, %dma_start3A_448] : memref<4x16x1024xf32, #tpu.memory_space<vmem>> -> memref<1x16x1024xf32, #tpu.memory_space<vmem>>
    %dma_start3A_450 = tpu.memref_squeeze %dma_start3A_449 : memref<1x16x1024xf32, #tpu.memory_space<vmem>> -> memref<16x1024xf32, #tpu.memory_space<vmem>>
    %dma_start3A_451 = arith.constant 0 : i32
    %dma_start3A_452 = tpu.memref_slice %arg2[%add3A_439, %dma_start3A_451] : memref<8192x1024xf32, #tpu.memory_space<hbm>> -> memref<16x1024xf32, #tpu.memory_space<hbm>>
    tpu.enqueue_dma source(%dma_start3A_452 : memref<16x1024xf32, #tpu.memory_space<hbm>>) target(%dma_start3A_450 : memref<16x1024xf32, #tpu.memory_space<vmem>>) target_semaphore(%arg7 : memref<!tpu.dma_semaphore, #tpu.memory_space<semaphore_mem>>)
    %dma_wait3A_453 = arith.constant 0 : i32
    %dma_wait3A_454 = arith.constant 0 : i32
    %dma_wait3A_455 = arith.constant 0 : i32
    %dma_wait3A_456 = tpu.memref_slice %arg4[%dma_wait3A_453, %dma_wait3A_454, %dma_wait3A_455] : memref<4x16x1024xf32, #tpu.memory_space<vmem>> -> memref<1x16x1024xf32, #tpu.memory_space<vmem>>
    %dma_wait3A_457 = tpu.memref_squeeze %dma_wait3A_456 : memref<1x16x1024xf32, #tpu.memory_space<vmem>> -> memref<16x1024xf32, #tpu.memory_space<vmem>>
    %dma_wait3A_458 = arith.constant 0 : i32
    %dma_wait3A_459 = tpu.memref_slice %arg2[%add3A_383, %dma_wait3A_458] : memref<8192x1024xf32, #tpu.memory_space<hbm>> -> memref<16x1024xf32, #tpu.memory_space<hbm>>
    %dma_wait3A_460 = arith.constant 0 : i32
    %dma_wait3A_461 = arith.constant 0 : i32
    %dma_wait3A_462 = tpu.memref_slice %arg4[%dma_wait3A_453, %dma_wait3A_460, %dma_wait3A_461] : memref<4x16x1024xf32, #tpu.memory_space<vmem>> -> memref<1x16x1024xf32, #tpu.memory_space<vmem>>
    %dma_wait3A_463 = tpu.memref_squeeze %dma_wait3A_462 : memref<1x16x1024xf32, #tpu.memory_space<vmem>> -> memref<16x1024xf32, #tpu.memory_space<vmem>>
    %dma_wait3A_464 = arith.constant 0 : i32
    %dma_wait3A_465 = tpu.memref_slice %arg2[%add3A_383, %dma_wait3A_464] : memref<8192x1024xf32, #tpu.memory_space<hbm>> -> memref<16x1024xf32, #tpu.memory_space<hbm>>
    tpu.wait_dma2 semaphore(%arg6 : memref<!tpu.dma_semaphore, #tpu.memory_space<semaphore_mem>>) src(%dma_wait3A_465 : memref<16x1024xf32, #tpu.memory_space<hbm>>) dst(%dma_wait3A_463 : memref<16x1024xf32, #tpu.memory_space<vmem>>)
    %add3A_466 = arith.constant 128 : i32
    %add3A_467 = arith.addi %mul3A_2, %add3A_466 : i32
    %dma_start3A_468 = arith.constant 0 : i32
    %dma_start3A_469 = arith.constant 0 : i32
    %dma_start3A_470 = arith.constant 0 : i32
    %dma_start3A_471 = tpu.memref_slice %arg4[%dma_start3A_468, %dma_start3A_469, %dma_start3A_470] : memref<4x16x1024xf32, #tpu.memory_space<vmem>> -> memref<1x16x1024xf32, #tpu.memory_space<vmem>>
    %dma_start3A_472 = tpu.memref_squeeze %dma_start3A_471 : memref<1x16x1024xf32, #tpu.memory_space<vmem>> -> memref<16x1024xf32, #tpu.memory_space<vmem>>
    %dma_start3A_473 = arith.constant 0 : i32
    %dma_start3A_474 = tpu.memref_slice %arg3[%add3A_467, %dma_start3A_473] : memref<8192x1024xf32, #tpu.memory_space<hbm>> -> memref<16x1024xf32, #tpu.memory_space<hbm>>
    %dma_start3A_475 = arith.constant 0 : i32
    %dma_start3A_476 = tpu.memref_slice %arg3[%add3A_467, %dma_start3A_475] : memref<8192x1024xf32, #tpu.memory_space<hbm>> -> memref<16x1024xf32, #tpu.memory_space<hbm>>
    %dma_start3A_477 = arith.constant 0 : i32
    %dma_start3A_478 = arith.constant 0 : i32
    %dma_start3A_479 = tpu.memref_slice %arg4[%dma_start3A_468, %dma_start3A_477, %dma_start3A_478] : memref<4x16x1024xf32, #tpu.memory_space<vmem>> -> memref<1x16x1024xf32, #tpu.memory_space<vmem>>
    %dma_start3A_480 = tpu.memref_squeeze %dma_start3A_479 : memref<1x16x1024xf32, #tpu.memory_space<vmem>> -> memref<16x1024xf32, #tpu.memory_space<vmem>>
    tpu.enqueue_dma source(%dma_start3A_480 : memref<16x1024xf32, #tpu.memory_space<vmem>>) target(%dma_start3A_476 : memref<16x1024xf32, #tpu.memory_space<hbm>>) target_semaphore(%arg10 : memref<!tpu.dma_semaphore, #tpu.memory_space<semaphore_mem>>)
    %dma_wait3A_481 = arith.constant 1 : i32
    %dma_wait3A_482 = arith.constant 0 : i32
    %dma_wait3A_483 = arith.constant 0 : i32
    %dma_wait3A_484 = tpu.memref_slice %arg4[%dma_wait3A_481, %dma_wait3A_482, %dma_wait3A_483] : memref<4x16x1024xf32, #tpu.memory_space<vmem>> -> memref<1x16x1024xf32, #tpu.memory_space<vmem>>
    %dma_wait3A_485 = tpu.memref_squeeze %dma_wait3A_484 : memref<1x16x1024xf32, #tpu.memory_space<vmem>> -> memref<16x1024xf32, #tpu.memory_space<vmem>>
    %dma_wait3A_486 = arith.constant 0 : i32
    %dma_wait3A_487 = tpu.memref_slice %arg2[%add3A_439, %dma_wait3A_486] : memref<8192x1024xf32, #tpu.memory_space<hbm>> -> memref<16x1024xf32, #tpu.memory_space<hbm>>
    %dma_wait3A_488 = arith.constant 0 : i32
    %dma_wait3A_489 = arith.constant 0 : i32
    %dma_wait3A_490 = tpu.memref_slice %arg4[%dma_wait3A_481, %dma_wait3A_488, %dma_wait3A_489] : memref<4x16x1024xf32, #tpu.memory_space<vmem>> -> memref<1x16x1024xf32, #tpu.memory_space<vmem>>
    %dma_wait3A_491 = tpu.memref_squeeze %dma_wait3A_490 : memref<1x16x1024xf32, #tpu.memory_space<vmem>> -> memref<16x1024xf32, #tpu.memory_space<vmem>>
    %dma_wait3A_492 = arith.constant 0 : i32
    %dma_wait3A_493 = tpu.memref_slice %arg2[%add3A_439, %dma_wait3A_492] : memref<8192x1024xf32, #tpu.memory_space<hbm>> -> memref<16x1024xf32, #tpu.memory_space<hbm>>
    tpu.wait_dma2 semaphore(%arg7 : memref<!tpu.dma_semaphore, #tpu.memory_space<semaphore_mem>>) src(%dma_wait3A_493 : memref<16x1024xf32, #tpu.memory_space<hbm>>) dst(%dma_wait3A_491 : memref<16x1024xf32, #tpu.memory_space<vmem>>)
    %add3A_494 = arith.constant 144 : i32
    %add3A_495 = arith.addi %mul3A_2, %add3A_494 : i32
    %dma_start3A_496 = arith.constant 1 : i32
    %dma_start3A_497 = arith.constant 0 : i32
    %dma_start3A_498 = arith.constant 0 : i32
    %dma_start3A_499 = tpu.memref_slice %arg4[%dma_start3A_496, %dma_start3A_497, %dma_start3A_498] : memref<4x16x1024xf32, #tpu.memory_space<vmem>> -> memref<1x16x1024xf32, #tpu.memory_space<vmem>>
    %dma_start3A_500 = tpu.memref_squeeze %dma_start3A_499 : memref<1x16x1024xf32, #tpu.memory_space<vmem>> -> memref<16x1024xf32, #tpu.memory_space<vmem>>
    %dma_start3A_501 = arith.constant 0 : i32
    %dma_start3A_502 = tpu.memref_slice %arg3[%add3A_495, %dma_start3A_501] : memref<8192x1024xf32, #tpu.memory_space<hbm>> -> memref<16x1024xf32, #tpu.memory_space<hbm>>
    %dma_start3A_503 = arith.constant 0 : i32
    %dma_start3A_504 = tpu.memref_slice %arg3[%add3A_495, %dma_start3A_503] : memref<8192x1024xf32, #tpu.memory_space<hbm>> -> memref<16x1024xf32, #tpu.memory_space<hbm>>
    %dma_start3A_505 = arith.constant 0 : i32
    %dma_start3A_506 = arith.constant 0 : i32
    %dma_start3A_507 = tpu.memref_slice %arg4[%dma_start3A_496, %dma_start3A_505, %dma_start3A_506] : memref<4x16x1024xf32, #tpu.memory_space<vmem>> -> memref<1x16x1024xf32, #tpu.memory_space<vmem>>
    %dma_start3A_508 = tpu.memref_squeeze %dma_start3A_507 : memref<1x16x1024xf32, #tpu.memory_space<vmem>> -> memref<16x1024xf32, #tpu.memory_space<vmem>>
    tpu.enqueue_dma source(%dma_start3A_508 : memref<16x1024xf32, #tpu.memory_space<vmem>>) target(%dma_start3A_504 : memref<16x1024xf32, #tpu.memory_space<hbm>>) target_semaphore(%arg11 : memref<!tpu.dma_semaphore, #tpu.memory_space<semaphore_mem>>)
    %dma_wait3A_509 = arith.constant 2 : i32
    %dma_wait3A_510 = arith.constant 0 : i32
    %dma_wait3A_511 = arith.constant 0 : i32
    %dma_wait3A_512 = tpu.memref_slice %arg4[%dma_wait3A_509, %dma_wait3A_510, %dma_wait3A_511] : memref<4x16x1024xf32, #tpu.memory_space<vmem>> -> memref<1x16x1024xf32, #tpu.memory_space<vmem>>
    %dma_wait3A_513 = tpu.memref_squeeze %dma_wait3A_512 : memref<1x16x1024xf32, #tpu.memory_space<vmem>> -> memref<16x1024xf32, #tpu.memory_space<vmem>>
    %dma_wait3A_514 = arith.constant 0 : i32
    %dma_wait3A_515 = tpu.memref_slice %arg3[%add3A_355, %dma_wait3A_514] : memref<8192x1024xf32, #tpu.memory_space<hbm>> -> memref<16x1024xf32, #tpu.memory_space<hbm>>
    %dma_wait3A_516 = arith.constant 0 : i32
    %dma_wait3A_517 = tpu.memref_slice %arg3[%add3A_355, %dma_wait3A_516] : memref<8192x1024xf32, #tpu.memory_space<hbm>> -> memref<16x1024xf32, #tpu.memory_space<hbm>>
    %dma_wait3A_518 = arith.constant 0 : i32
    %dma_wait3A_519 = arith.constant 0 : i32
    %dma_wait3A_520 = tpu.memref_slice %arg4[%dma_wait3A_509, %dma_wait3A_518, %dma_wait3A_519] : memref<4x16x1024xf32, #tpu.memory_space<vmem>> -> memref<1x16x1024xf32, #tpu.memory_space<vmem>>
    %dma_wait3A_521 = tpu.memref_squeeze %dma_wait3A_520 : memref<1x16x1024xf32, #tpu.memory_space<vmem>> -> memref<16x1024xf32, #tpu.memory_space<vmem>>
    tpu.wait_dma2 semaphore(%arg12 : memref<!tpu.dma_semaphore, #tpu.memory_space<semaphore_mem>>) src(%dma_wait3A_521 : memref<16x1024xf32, #tpu.memory_space<vmem>>) dst(%dma_wait3A_517 : memref<16x1024xf32, #tpu.memory_space<hbm>>)
    %dma_wait3A_522 = arith.constant 3 : i32
    %dma_wait3A_523 = arith.constant 0 : i32
    %dma_wait3A_524 = arith.constant 0 : i32
    %dma_wait3A_525 = tpu.memref_slice %arg4[%dma_wait3A_522, %dma_wait3A_523, %dma_wait3A_524] : memref<4x16x1024xf32, #tpu.memory_space<vmem>> -> memref<1x16x1024xf32, #tpu.memory_space<vmem>>
    %dma_wait3A_526 = tpu.memref_squeeze %dma_wait3A_525 : memref<1x16x1024xf32, #tpu.memory_space<vmem>> -> memref<16x1024xf32, #tpu.memory_space<vmem>>
    %dma_wait3A_527 = arith.constant 0 : i32
    %dma_wait3A_528 = tpu.memref_slice %arg3[%add3A_411, %dma_wait3A_527] : memref<8192x1024xf32, #tpu.memory_space<hbm>> -> memref<16x1024xf32, #tpu.memory_space<hbm>>
    %dma_wait3A_529 = arith.constant 0 : i32
    %dma_wait3A_530 = tpu.memref_slice %arg3[%add3A_411, %dma_wait3A_529] : memref<8192x1024xf32, #tpu.memory_space<hbm>> -> memref<16x1024xf32, #tpu.memory_space<hbm>>
    %dma_wait3A_531 = arith.constant 0 : i32
    %dma_wait3A_532 = arith.constant 0 : i32
    %dma_wait3A_533 = tpu.memref_slice %arg4[%dma_wait3A_522, %dma_wait3A_531, %dma_wait3A_532] : memref<4x16x1024xf32, #tpu.memory_space<vmem>> -> memref<1x16x1024xf32, #tpu.memory_space<vmem>>
    %dma_wait3A_534 = tpu.memref_squeeze %dma_wait3A_533 : memref<1x16x1024xf32, #tpu.memory_space<vmem>> -> memref<16x1024xf32, #tpu.memory_space<vmem>>
    tpu.wait_dma2 semaphore(%arg13 : memref<!tpu.dma_semaphore, #tpu.memory_space<semaphore_mem>>) src(%dma_wait3A_534 : memref<16x1024xf32, #tpu.memory_space<vmem>>) dst(%dma_wait3A_530 : memref<16x1024xf32, #tpu.memory_space<hbm>>)
    %dma_wait3A_535 = arith.constant 0 : i32
    %dma_wait3A_536 = arith.constant 0 : i32
    %dma_wait3A_537 = arith.constant 0 : i32
    %dma_wait3A_538 = tpu.memref_slice %arg4[%dma_wait3A_535, %dma_wait3A_536, %dma_wait3A_537] : memref<4x16x1024xf32, #tpu.memory_space<vmem>> -> memref<1x16x1024xf32, #tpu.memory_space<vmem>>
    %dma_wait3A_539 = tpu.memref_squeeze %dma_wait3A_538 : memref<1x16x1024xf32, #tpu.memory_space<vmem>> -> memref<16x1024xf32, #tpu.memory_space<vmem>>
    %dma_wait3A_540 = arith.constant 0 : i32
    %dma_wait3A_541 = tpu.memref_slice %arg3[%add3A_467, %dma_wait3A_540] : memref<8192x1024xf32, #tpu.memory_space<hbm>> -> memref<16x1024xf32, #tpu.memory_space<hbm>>
    %dma_wait3A_542 = arith.constant 0 : i32
    %dma_wait3A_543 = tpu.memref_slice %arg3[%add3A_467, %dma_wait3A_542] : memref<8192x1024xf32, #tpu.memory_space<hbm>> -> memref<16x1024xf32, #tpu.memory_space<hbm>>
    %dma_wait3A_544 = arith.constant 0 : i32
    %dma_wait3A_545 = arith.constant 0 : i32
    %dma_wait3A_546 = tpu.memref_slice %arg4[%dma_wait3A_535, %dma_wait3A_544, %dma_wait3A_545] : memref<4x16x1024xf32, #tpu.memory_space<vmem>> -> memref<1x16x1024xf32, #tpu.memory_space<vmem>>
    %dma_wait3A_547 = tpu.memref_squeeze %dma_wait3A_546 : memref<1x16x1024xf32, #tpu.memory_space<vmem>> -> memref<16x1024xf32, #tpu.memory_space<vmem>>
    tpu.wait_dma2 semaphore(%arg10 : memref<!tpu.dma_semaphore, #tpu.memory_space<semaphore_mem>>) src(%dma_wait3A_547 : memref<16x1024xf32, #tpu.memory_space<vmem>>) dst(%dma_wait3A_543 : memref<16x1024xf32, #tpu.memory_space<hbm>>)
    %dma_wait3A_548 = arith.constant 1 : i32
    %dma_wait3A_549 = arith.constant 0 : i32
    %dma_wait3A_550 = arith.constant 0 : i32
    %dma_wait3A_551 = tpu.memref_slice %arg4[%dma_wait3A_548, %dma_wait3A_549, %dma_wait3A_550] : memref<4x16x1024xf32, #tpu.memory_space<vmem>> -> memref<1x16x1024xf32, #tpu.memory_space<vmem>>
    %dma_wait3A_552 = tpu.memref_squeeze %dma_wait3A_551 : memref<1x16x1024xf32, #tpu.memory_space<vmem>> -> memref<16x1024xf32, #tpu.memory_space<vmem>>
    %dma_wait3A_553 = arith.constant 0 : i32
    %dma_wait3A_554 = tpu.memref_slice %arg3[%add3A_495, %dma_wait3A_553] : memref<8192x1024xf32, #tpu.memory_space<hbm>> -> memref<16x1024xf32, #tpu.memory_space<hbm>>
    %dma_wait3A_555 = arith.constant 0 : i32
    %dma_wait3A_556 = tpu.memref_slice %arg3[%add3A_495, %dma_wait3A_555] : memref<8192x1024xf32, #tpu.memory_space<hbm>> -> memref<16x1024xf32, #tpu.memory_space<hbm>>
    %dma_wait3A_557 = arith.constant 0 : i32
    %dma_wait3A_558 = arith.constant 0 : i32
    %dma_wait3A_559 = tpu.memref_slice %arg4[%dma_wait3A_548, %dma_wait3A_557, %dma_wait3A_558] : memref<4x16x1024xf32, #tpu.memory_space<vmem>> -> memref<1x16x1024xf32, #tpu.memory_space<vmem>>
    %dma_wait3A_560 = tpu.memref_squeeze %dma_wait3A_559 : memref<1x16x1024xf32, #tpu.memory_space<vmem>> -> memref<16x1024xf32, #tpu.memory_space<vmem>>
    tpu.wait_dma2 semaphore(%arg11 : memref<!tpu.dma_semaphore, #tpu.memory_space<semaphore_mem>>) src(%dma_wait3A_560 : memref<16x1024xf32, #tpu.memory_space<vmem>>) dst(%dma_wait3A_556 : memref<16x1024xf32, #tpu.memory_space<hbm>>)
    return
  }
  func.func @_scs_fn(%arg0: i32, %arg1: memref<8192x1024xf32, #tpu.memory_space<hbm>>, %arg2: memref<8192x1024xf32, #tpu.memory_space<hbm>>, %arg3: memref<4x16x1024xf32, #tpu.memory_space<vmem, sc_vector_subcore>>, %arg4: memref<3x256x1024xf32, #tpu.memory_space<vmem_shared>>, %arg5: memref<!tpu.dma_semaphore, #tpu.memory_space<semaphore_mem, sc_vector_subcore>>, %arg6: memref<!tpu.dma_semaphore, #tpu.memory_space<semaphore_mem, sc_vector_subcore>>, %arg7: memref<!tpu.dma_semaphore, #tpu.memory_space<semaphore_mem, sc_vector_subcore>>, %arg8: memref<!tpu.dma_semaphore, #tpu.memory_space<semaphore_mem, sc_vector_subcore>>, %arg9: memref<!tpu.dma_semaphore, #tpu.memory_space<semaphore_mem, sc_vector_subcore>>, %arg10: memref<!tpu.dma_semaphore, #tpu.memory_space<semaphore_mem, sc_vector_subcore>>, %arg11: memref<!tpu.dma_semaphore, #tpu.memory_space<semaphore_mem, sc_vector_subcore>>, %arg12: memref<!tpu.dma_semaphore, #tpu.memory_space<semaphore_mem, sc_vector_subcore>>, %arg13: memref<!tpu.dma_semaphore, #tpu.memory_space<semaphore_mem>>, %arg14: memref<!tpu.dma_semaphore, #tpu.memory_space<semaphore_mem>>, %arg15: memref<!tpu.dma_semaphore, #tpu.memory_space<semaphore_mem>>, %arg16: memref<!tpu.dma_semaphore, #tpu.memory_space<semaphore_mem>>, %arg17: memref<!tpu.dma_semaphore, #tpu.memory_space<semaphore_mem>>, %arg18: memref<!tpu.dma_semaphore, #tpu.memory_space<semaphore_mem>>) attributes {dimension_semantics = [#tpu.dimension_semantics<core_parallel>], iteration_bounds = array<i64: 2>, scalar_prefetch = 0 : i64, scratch_operands = 16 : i64, tpu.core_type = #tpu.core_type<sc_scalar_subcore>, window_params = [{transform_indices = #map1}, {transform_indices = #map1}]} {
    %mul3A = arith.constant 1536 : i32
    %mul3A_0 = arith.muli %arg0, %mul3A : i32
    %add3A = arith.constant 5120 : i32
    %add3A_1 = arith.addi %add3A, %mul3A_0 : i32
    %add3A_2 = arith.constant 0 : i32
    %add3A_3 = arith.addi %add3A_1, %add3A_2 : i32
    %dma_start3A = arith.constant 0 : i32
    %dma_start3A_4 = arith.constant 0 : i32
    %dma_start3A_5 = arith.constant 0 : i32
    %dma_start3A_6 = tpu.memref_slice %arg4[%dma_start3A, %dma_start3A_4, %dma_start3A_5] : memref<3x256x1024xf32, #tpu.memory_space<vmem_shared>> -> memref<1x256x1024xf32, #tpu.memory_space<vmem_shared>>
    %dma_start3A_7 = tpu.memref_squeeze %dma_start3A_6 : memref<1x256x1024xf32, #tpu.memory_space<vmem_shared>> -> memref<256x1024xf32, #tpu.memory_space<vmem_shared>>
    %dma_start3A_8 = arith.constant 0 : i32
    %dma_start3A_9 = tpu.memref_slice %arg1[%add3A_3, %dma_start3A_8] : memref<8192x1024xf32, #tpu.memory_space<hbm>> -> memref<256x1024xf32, #tpu.memory_space<hbm>>
    tpu.enqueue_dma source(%dma_start3A_9 : memref<256x1024xf32, #tpu.memory_space<hbm>>) target(%dma_start3A_7 : memref<256x1024xf32, #tpu.memory_space<vmem_shared>>) target_semaphore(%arg13 : memref<!tpu.dma_semaphore, #tpu.memory_space<semaphore_mem>>)
    %add3A_10 = arith.constant 256 : i32
    %add3A_11 = arith.addi %add3A_1, %add3A_10 : i32
    %dma_start3A_12 = arith.constant 1 : i32
    %dma_start3A_13 = arith.constant 0 : i32
    %dma_start3A_14 = arith.constant 0 : i32
    %dma_start3A_15 = tpu.memref_slice %arg4[%dma_start3A_12, %dma_start3A_13, %dma_start3A_14] : memref<3x256x1024xf32, #tpu.memory_space<vmem_shared>> -> memref<1x256x1024xf32, #tpu.memory_space<vmem_shared>>
    %dma_start3A_16 = tpu.memref_squeeze %dma_start3A_15 : memref<1x256x1024xf32, #tpu.memory_space<vmem_shared>> -> memref<256x1024xf32, #tpu.memory_space<vmem_shared>>
    %dma_start3A_17 = arith.constant 0 : i32
    %dma_start3A_18 = tpu.memref_slice %arg1[%add3A_11, %dma_start3A_17] : memref<8192x1024xf32, #tpu.memory_space<hbm>> -> memref<256x1024xf32, #tpu.memory_space<hbm>>
    tpu.enqueue_dma source(%dma_start3A_18 : memref<256x1024xf32, #tpu.memory_space<hbm>>) target(%dma_start3A_16 : memref<256x1024xf32, #tpu.memory_space<vmem_shared>>) target_semaphore(%arg14 : memref<!tpu.dma_semaphore, #tpu.memory_space<semaphore_mem>>)
    %dma_wait3A = arith.constant 0 : i32
    %dma_wait3A_19 = arith.constant 0 : i32
    %dma_wait3A_20 = arith.constant 0 : i32
    %dma_wait3A_21 = tpu.memref_slice %arg4[%dma_wait3A, %dma_wait3A_19, %dma_wait3A_20] : memref<3x256x1024xf32, #tpu.memory_space<vmem_shared>> -> memref<1x256x1024xf32, #tpu.memory_space<vmem_shared>>
    %dma_wait3A_22 = tpu.memref_squeeze %dma_wait3A_21 : memref<1x256x1024xf32, #tpu.memory_space<vmem_shared>> -> memref<256x1024xf32, #tpu.memory_space<vmem_shared>>
    %dma_wait3A_23 = arith.constant 0 : i32
    %dma_wait3A_24 = tpu.memref_slice %arg1[%add3A_3, %dma_wait3A_23] : memref<8192x1024xf32, #tpu.memory_space<hbm>> -> memref<256x1024xf32, #tpu.memory_space<hbm>>
    tpu.wait_dma2 semaphore(%arg13 : memref<!tpu.dma_semaphore, #tpu.memory_space<semaphore_mem>>) src(%dma_wait3A_24 : memref<256x1024xf32, #tpu.memory_space<hbm>>) dst(%dma_wait3A_22 : memref<256x1024xf32, #tpu.memory_space<vmem_shared>>)
    %add3A_25 = arith.constant 0 : i32
    %add3A_26 = arith.addi %add3A_1, %add3A_25 : i32
    %dma_start3A_27 = arith.constant 0 : i32
    %dma_start3A_28 = arith.constant 0 : i32
    %dma_start3A_29 = tpu.memref_slice %arg2[%add3A_26, %dma_start3A_28] : memref<8192x1024xf32, #tpu.memory_space<hbm>> -> memref<256x1024xf32, #tpu.memory_space<hbm>>
    %dma_start3A_30 = arith.constant 0 : i32
    %dma_start3A_31 = arith.constant 0 : i32
    %dma_start3A_32 = tpu.memref_slice %arg4[%dma_start3A_27, %dma_start3A_30, %dma_start3A_31] : memref<3x256x1024xf32, #tpu.memory_space<vmem_shared>> -> memref<1x256x1024xf32, #tpu.memory_space<vmem_shared>>
    %dma_start3A_33 = tpu.memref_squeeze %dma_start3A_32 : memref<1x256x1024xf32, #tpu.memory_space<vmem_shared>> -> memref<256x1024xf32, #tpu.memory_space<vmem_shared>>
    tpu.enqueue_dma source(%dma_start3A_33 : memref<256x1024xf32, #tpu.memory_space<vmem_shared>>) target(%dma_start3A_29 : memref<256x1024xf32, #tpu.memory_space<hbm>>) target_semaphore(%arg16 : memref<!tpu.dma_semaphore, #tpu.memory_space<semaphore_mem>>)
    %add3A_34 = arith.constant 512 : i32
    %add3A_35 = arith.addi %add3A_1, %add3A_34 : i32
    %dma_start3A_36 = arith.constant 2 : i32
    %dma_start3A_37 = arith.constant 0 : i32
    %dma_start3A_38 = arith.constant 0 : i32
    %dma_start3A_39 = tpu.memref_slice %arg4[%dma_start3A_36, %dma_start3A_37, %dma_start3A_38] : memref<3x256x1024xf32, #tpu.memory_space<vmem_shared>> -> memref<1x256x1024xf32, #tpu.memory_space<vmem_shared>>
    %dma_start3A_40 = tpu.memref_squeeze %dma_start3A_39 : memref<1x256x1024xf32, #tpu.memory_space<vmem_shared>> -> memref<256x1024xf32, #tpu.memory_space<vmem_shared>>
    %dma_start3A_41 = arith.constant 0 : i32
    %dma_start3A_42 = tpu.memref_slice %arg1[%add3A_35, %dma_start3A_41] : memref<8192x1024xf32, #tpu.memory_space<hbm>> -> memref<256x1024xf32, #tpu.memory_space<hbm>>
    tpu.enqueue_dma source(%dma_start3A_42 : memref<256x1024xf32, #tpu.memory_space<hbm>>) target(%dma_start3A_40 : memref<256x1024xf32, #tpu.memory_space<vmem_shared>>) target_semaphore(%arg15 : memref<!tpu.dma_semaphore, #tpu.memory_space<semaphore_mem>>)
    %dma_wait3A_43 = arith.constant 1 : i32
    %dma_wait3A_44 = arith.constant 0 : i32
    %dma_wait3A_45 = arith.constant 0 : i32
    %dma_wait3A_46 = tpu.memref_slice %arg4[%dma_wait3A_43, %dma_wait3A_44, %dma_wait3A_45] : memref<3x256x1024xf32, #tpu.memory_space<vmem_shared>> -> memref<1x256x1024xf32, #tpu.memory_space<vmem_shared>>
    %dma_wait3A_47 = tpu.memref_squeeze %dma_wait3A_46 : memref<1x256x1024xf32, #tpu.memory_space<vmem_shared>> -> memref<256x1024xf32, #tpu.memory_space<vmem_shared>>
    %dma_wait3A_48 = arith.constant 0 : i32
    %dma_wait3A_49 = tpu.memref_slice %arg1[%add3A_11, %dma_wait3A_48] : memref<8192x1024xf32, #tpu.memory_space<hbm>> -> memref<256x1024xf32, #tpu.memory_space<hbm>>
    tpu.wait_dma2 semaphore(%arg14 : memref<!tpu.dma_semaphore, #tpu.memory_space<semaphore_mem>>) src(%dma_wait3A_49 : memref<256x1024xf32, #tpu.memory_space<hbm>>) dst(%dma_wait3A_47 : memref<256x1024xf32, #tpu.memory_space<vmem_shared>>)
    %add3A_50 = arith.constant 256 : i32
    %add3A_51 = arith.addi %add3A_1, %add3A_50 : i32
    %dma_start3A_52 = arith.constant 1 : i32
    %dma_start3A_53 = arith.constant 0 : i32
    %dma_start3A_54 = tpu.memref_slice %arg2[%add3A_51, %dma_start3A_53] : memref<8192x1024xf32, #tpu.memory_space<hbm>> -> memref<256x1024xf32, #tpu.memory_space<hbm>>
    %dma_start3A_55 = arith.constant 0 : i32
    %dma_start3A_56 = arith.constant 0 : i32
    %dma_start3A_57 = tpu.memref_slice %arg4[%dma_start3A_52, %dma_start3A_55, %dma_start3A_56] : memref<3x256x1024xf32, #tpu.memory_space<vmem_shared>> -> memref<1x256x1024xf32, #tpu.memory_space<vmem_shared>>
    %dma_start3A_58 = tpu.memref_squeeze %dma_start3A_57 : memref<1x256x1024xf32, #tpu.memory_space<vmem_shared>> -> memref<256x1024xf32, #tpu.memory_space<vmem_shared>>
    tpu.enqueue_dma source(%dma_start3A_58 : memref<256x1024xf32, #tpu.memory_space<vmem_shared>>) target(%dma_start3A_54 : memref<256x1024xf32, #tpu.memory_space<hbm>>) target_semaphore(%arg17 : memref<!tpu.dma_semaphore, #tpu.memory_space<semaphore_mem>>)
    %dma_wait3A_59 = arith.constant 0 : i32
    %dma_wait3A_60 = arith.constant 0 : i32
    %dma_wait3A_61 = tpu.memref_slice %arg2[%add3A_26, %dma_wait3A_60] : memref<8192x1024xf32, #tpu.memory_space<hbm>> -> memref<256x1024xf32, #tpu.memory_space<hbm>>
    %dma_wait3A_62 = arith.constant 0 : i32
    %dma_wait3A_63 = arith.constant 0 : i32
    %dma_wait3A_64 = tpu.memref_slice %arg4[%dma_wait3A_59, %dma_wait3A_62, %dma_wait3A_63] : memref<3x256x1024xf32, #tpu.memory_space<vmem_shared>> -> memref<1x256x1024xf32, #tpu.memory_space<vmem_shared>>
    %dma_wait3A_65 = tpu.memref_squeeze %dma_wait3A_64 : memref<1x256x1024xf32, #tpu.memory_space<vmem_shared>> -> memref<256x1024xf32, #tpu.memory_space<vmem_shared>>
    tpu.wait_dma2 semaphore(%arg16 : memref<!tpu.dma_semaphore, #tpu.memory_space<semaphore_mem>>) src(%dma_wait3A_65 : memref<256x1024xf32, #tpu.memory_space<vmem_shared>>) dst(%dma_wait3A_61 : memref<256x1024xf32, #tpu.memory_space<hbm>>)
    %add3A_66 = arith.constant 768 : i32
    %add3A_67 = arith.addi %add3A_1, %add3A_66 : i32
    %dma_start3A_68 = arith.constant 0 : i32
    %dma_start3A_69 = arith.constant 0 : i32
    %dma_start3A_70 = arith.constant 0 : i32
    %dma_start3A_71 = tpu.memref_slice %arg4[%dma_start3A_68, %dma_start3A_69, %dma_start3A_70] : memref<3x256x1024xf32, #tpu.memory_space<vmem_shared>> -> memref<1x256x1024xf32, #tpu.memory_space<vmem_shared>>
    %dma_start3A_72 = tpu.memref_squeeze %dma_start3A_71 : memref<1x256x1024xf32, #tpu.memory_space<vmem_shared>> -> memref<256x1024xf32, #tpu.memory_space<vmem_shared>>
    %dma_start3A_73 = arith.constant 0 : i32
    %dma_start3A_74 = tpu.memref_slice %arg1[%add3A_67, %dma_start3A_73] : memref<8192x1024xf32, #tpu.memory_space<hbm>> -> memref<256x1024xf32, #tpu.memory_space<hbm>>
    tpu.enqueue_dma source(%dma_start3A_74 : memref<256x1024xf32, #tpu.memory_space<hbm>>) target(%dma_start3A_72 : memref<256x1024xf32, #tpu.memory_space<vmem_shared>>) target_semaphore(%arg13 : memref<!tpu.dma_semaphore, #tpu.memory_space<semaphore_mem>>)
    %dma_wait3A_75 = arith.constant 2 : i32
    %dma_wait3A_76 = arith.constant 0 : i32
    %dma_wait3A_77 = arith.constant 0 : i32
    %dma_wait3A_78 = tpu.memref_slice %arg4[%dma_wait3A_75, %dma_wait3A_76, %dma_wait3A_77] : memref<3x256x1024xf32, #tpu.memory_space<vmem_shared>> -> memref<1x256x1024xf32, #tpu.memory_space<vmem_shared>>
    %dma_wait3A_79 = tpu.memref_squeeze %dma_wait3A_78 : memref<1x256x1024xf32, #tpu.memory_space<vmem_shared>> -> memref<256x1024xf32, #tpu.memory_space<vmem_shared>>
    %dma_wait3A_80 = arith.constant 0 : i32
    %dma_wait3A_81 = tpu.memref_slice %arg1[%add3A_35, %dma_wait3A_80] : memref<8192x1024xf32, #tpu.memory_space<hbm>> -> memref<256x1024xf32, #tpu.memory_space<hbm>>
    tpu.wait_dma2 semaphore(%arg15 : memref<!tpu.dma_semaphore, #tpu.memory_space<semaphore_mem>>) src(%dma_wait3A_81 : memref<256x1024xf32, #tpu.memory_space<hbm>>) dst(%dma_wait3A_79 : memref<256x1024xf32, #tpu.memory_space<vmem_shared>>)
    %add3A_82 = arith.constant 512 : i32
    %add3A_83 = arith.addi %add3A_1, %add3A_82 : i32
    %dma_start3A_84 = arith.constant 2 : i32
    %dma_start3A_85 = arith.constant 0 : i32
    %dma_start3A_86 = tpu.memref_slice %arg2[%add3A_83, %dma_start3A_85] : memref<8192x1024xf32, #tpu.memory_space<hbm>> -> memref<256x1024xf32, #tpu.memory_space<hbm>>
    %dma_start3A_87 = arith.constant 0 : i32
    %dma_start3A_88 = arith.constant 0 : i32
    %dma_start3A_89 = tpu.memref_slice %arg4[%dma_start3A_84, %dma_start3A_87, %dma_start3A_88] : memref<3x256x1024xf32, #tpu.memory_space<vmem_shared>> -> memref<1x256x1024xf32, #tpu.memory_space<vmem_shared>>
    %dma_start3A_90 = tpu.memref_squeeze %dma_start3A_89 : memref<1x256x1024xf32, #tpu.memory_space<vmem_shared>> -> memref<256x1024xf32, #tpu.memory_space<vmem_shared>>
    tpu.enqueue_dma source(%dma_start3A_90 : memref<256x1024xf32, #tpu.memory_space<vmem_shared>>) target(%dma_start3A_86 : memref<256x1024xf32, #tpu.memory_space<hbm>>) target_semaphore(%arg18 : memref<!tpu.dma_semaphore, #tpu.memory_space<semaphore_mem>>)
    %dma_wait3A_91 = arith.constant 1 : i32
    %dma_wait3A_92 = arith.constant 0 : i32
    %dma_wait3A_93 = tpu.memref_slice %arg2[%add3A_51, %dma_wait3A_92] : memref<8192x1024xf32, #tpu.memory_space<hbm>> -> memref<256x1024xf32, #tpu.memory_space<hbm>>
    %dma_wait3A_94 = arith.constant 0 : i32
    %dma_wait3A_95 = arith.constant 0 : i32
    %dma_wait3A_96 = tpu.memref_slice %arg4[%dma_wait3A_91, %dma_wait3A_94, %dma_wait3A_95] : memref<3x256x1024xf32, #tpu.memory_space<vmem_shared>> -> memref<1x256x1024xf32, #tpu.memory_space<vmem_shared>>
    %dma_wait3A_97 = tpu.memref_squeeze %dma_wait3A_96 : memref<1x256x1024xf32, #tpu.memory_space<vmem_shared>> -> memref<256x1024xf32, #tpu.memory_space<vmem_shared>>
    tpu.wait_dma2 semaphore(%arg17 : memref<!tpu.dma_semaphore, #tpu.memory_space<semaphore_mem>>) src(%dma_wait3A_97 : memref<256x1024xf32, #tpu.memory_space<vmem_shared>>) dst(%dma_wait3A_93 : memref<256x1024xf32, #tpu.memory_space<hbm>>)
    %add3A_98 = arith.constant 1024 : i32
    %add3A_99 = arith.addi %add3A_1, %add3A_98 : i32
    %dma_start3A_100 = arith.constant 1 : i32
    %dma_start3A_101 = arith.constant 0 : i32
    %dma_start3A_102 = arith.constant 0 : i32
    %dma_start3A_103 = tpu.memref_slice %arg4[%dma_start3A_100, %dma_start3A_101, %dma_start3A_102] : memref<3x256x1024xf32, #tpu.memory_space<vmem_shared>> -> memref<1x256x1024xf32, #tpu.memory_space<vmem_shared>>
    %dma_start3A_104 = tpu.memref_squeeze %dma_start3A_103 : memref<1x256x1024xf32, #tpu.memory_space<vmem_shared>> -> memref<256x1024xf32, #tpu.memory_space<vmem_shared>>
    %dma_start3A_105 = arith.constant 0 : i32
    %dma_start3A_106 = tpu.memref_slice %arg1[%add3A_99, %dma_start3A_105] : memref<8192x1024xf32, #tpu.memory_space<hbm>> -> memref<256x1024xf32, #tpu.memory_space<hbm>>
    tpu.enqueue_dma source(%dma_start3A_106 : memref<256x1024xf32, #tpu.memory_space<hbm>>) target(%dma_start3A_104 : memref<256x1024xf32, #tpu.memory_space<vmem_shared>>) target_semaphore(%arg14 : memref<!tpu.dma_semaphore, #tpu.memory_space<semaphore_mem>>)
    %dma_wait3A_107 = arith.constant 0 : i32
    %dma_wait3A_108 = arith.constant 0 : i32
    %dma_wait3A_109 = arith.constant 0 : i32
    %dma_wait3A_110 = tpu.memref_slice %arg4[%dma_wait3A_107, %dma_wait3A_108, %dma_wait3A_109] : memref<3x256x1024xf32, #tpu.memory_space<vmem_shared>> -> memref<1x256x1024xf32, #tpu.memory_space<vmem_shared>>
    %dma_wait3A_111 = tpu.memref_squeeze %dma_wait3A_110 : memref<1x256x1024xf32, #tpu.memory_space<vmem_shared>> -> memref<256x1024xf32, #tpu.memory_space<vmem_shared>>
    %dma_wait3A_112 = arith.constant 0 : i32
    %dma_wait3A_113 = tpu.memref_slice %arg1[%add3A_67, %dma_wait3A_112] : memref<8192x1024xf32, #tpu.memory_space<hbm>> -> memref<256x1024xf32, #tpu.memory_space<hbm>>
    tpu.wait_dma2 semaphore(%arg13 : memref<!tpu.dma_semaphore, #tpu.memory_space<semaphore_mem>>) src(%dma_wait3A_113 : memref<256x1024xf32, #tpu.memory_space<hbm>>) dst(%dma_wait3A_111 : memref<256x1024xf32, #tpu.memory_space<vmem_shared>>)
    %add3A_114 = arith.constant 768 : i32
    %add3A_115 = arith.addi %add3A_1, %add3A_114 : i32
    %dma_start3A_116 = arith.constant 0 : i32
    %dma_start3A_117 = arith.constant 0 : i32
    %dma_start3A_118 = tpu.memref_slice %arg2[%add3A_115, %dma_start3A_117] : memref<8192x1024xf32, #tpu.memory_space<hbm>> -> memref<256x1024xf32, #tpu.memory_space<hbm>>
    %dma_start3A_119 = arith.constant 0 : i32
    %dma_start3A_120 = arith.constant 0 : i32
    %dma_start3A_121 = tpu.memref_slice %arg4[%dma_start3A_116, %dma_start3A_119, %dma_start3A_120] : memref<3x256x1024xf32, #tpu.memory_space<vmem_shared>> -> memref<1x256x1024xf32, #tpu.memory_space<vmem_shared>>
    %dma_start3A_122 = tpu.memref_squeeze %dma_start3A_121 : memref<1x256x1024xf32, #tpu.memory_space<vmem_shared>> -> memref<256x1024xf32, #tpu.memory_space<vmem_shared>>
    tpu.enqueue_dma source(%dma_start3A_122 : memref<256x1024xf32, #tpu.memory_space<vmem_shared>>) target(%dma_start3A_118 : memref<256x1024xf32, #tpu.memory_space<hbm>>) target_semaphore(%arg16 : memref<!tpu.dma_semaphore, #tpu.memory_space<semaphore_mem>>)
    %dma_wait3A_123 = arith.constant 2 : i32
    %dma_wait3A_124 = arith.constant 0 : i32
    %dma_wait3A_125 = tpu.memref_slice %arg2[%add3A_83, %dma_wait3A_124] : memref<8192x1024xf32, #tpu.memory_space<hbm>> -> memref<256x1024xf32, #tpu.memory_space<hbm>>
    %dma_wait3A_126 = arith.constant 0 : i32
    %dma_wait3A_127 = arith.constant 0 : i32
    %dma_wait3A_128 = tpu.memref_slice %arg4[%dma_wait3A_123, %dma_wait3A_126, %dma_wait3A_127] : memref<3x256x1024xf32, #tpu.memory_space<vmem_shared>> -> memref<1x256x1024xf32, #tpu.memory_space<vmem_shared>>
    %dma_wait3A_129 = tpu.memref_squeeze %dma_wait3A_128 : memref<1x256x1024xf32, #tpu.memory_space<vmem_shared>> -> memref<256x1024xf32, #tpu.memory_space<vmem_shared>>
    tpu.wait_dma2 semaphore(%arg18 : memref<!tpu.dma_semaphore, #tpu.memory_space<semaphore_mem>>) src(%dma_wait3A_129 : memref<256x1024xf32, #tpu.memory_space<vmem_shared>>) dst(%dma_wait3A_125 : memref<256x1024xf32, #tpu.memory_space<hbm>>)
    %add3A_130 = arith.constant 1280 : i32
    %add3A_131 = arith.addi %add3A_1, %add3A_130 : i32
    %dma_start3A_132 = arith.constant 2 : i32
    %dma_start3A_133 = arith.constant 0 : i32
    %dma_start3A_134 = arith.constant 0 : i32
    %dma_start3A_135 = tpu.memref_slice %arg4[%dma_start3A_132, %dma_start3A_133, %dma_start3A_134] : memref<3x256x1024xf32, #tpu.memory_space<vmem_shared>> -> memref<1x256x1024xf32, #tpu.memory_space<vmem_shared>>
    %dma_start3A_136 = tpu.memref_squeeze %dma_start3A_135 : memref<1x256x1024xf32, #tpu.memory_space<vmem_shared>> -> memref<256x1024xf32, #tpu.memory_space<vmem_shared>>
    %dma_start3A_137 = arith.constant 0 : i32
    %dma_start3A_138 = tpu.memref_slice %arg1[%add3A_131, %dma_start3A_137] : memref<8192x1024xf32, #tpu.memory_space<hbm>> -> memref<256x1024xf32, #tpu.memory_space<hbm>>
    tpu.enqueue_dma source(%dma_start3A_138 : memref<256x1024xf32, #tpu.memory_space<hbm>>) target(%dma_start3A_136 : memref<256x1024xf32, #tpu.memory_space<vmem_shared>>) target_semaphore(%arg15 : memref<!tpu.dma_semaphore, #tpu.memory_space<semaphore_mem>>)
    %dma_wait3A_139 = arith.constant 1 : i32
    %dma_wait3A_140 = arith.constant 0 : i32
    %dma_wait3A_141 = arith.constant 0 : i32
    %dma_wait3A_142 = tpu.memref_slice %arg4[%dma_wait3A_139, %dma_wait3A_140, %dma_wait3A_141] : memref<3x256x1024xf32, #tpu.memory_space<vmem_shared>> -> memref<1x256x1024xf32, #tpu.memory_space<vmem_shared>>
    %dma_wait3A_143 = tpu.memref_squeeze %dma_wait3A_142 : memref<1x256x1024xf32, #tpu.memory_space<vmem_shared>> -> memref<256x1024xf32, #tpu.memory_space<vmem_shared>>
    %dma_wait3A_144 = arith.constant 0 : i32
    %dma_wait3A_145 = tpu.memref_slice %arg1[%add3A_99, %dma_wait3A_144] : memref<8192x1024xf32, #tpu.memory_space<hbm>> -> memref<256x1024xf32, #tpu.memory_space<hbm>>
    tpu.wait_dma2 semaphore(%arg14 : memref<!tpu.dma_semaphore, #tpu.memory_space<semaphore_mem>>) src(%dma_wait3A_145 : memref<256x1024xf32, #tpu.memory_space<hbm>>) dst(%dma_wait3A_143 : memref<256x1024xf32, #tpu.memory_space<vmem_shared>>)
    %add3A_146 = arith.constant 1024 : i32
    %add3A_147 = arith.addi %add3A_1, %add3A_146 : i32
    %dma_start3A_148 = arith.constant 1 : i32
    %dma_start3A_149 = arith.constant 0 : i32
    %dma_start3A_150 = tpu.memref_slice %arg2[%add3A_147, %dma_start3A_149] : memref<8192x1024xf32, #tpu.memory_space<hbm>> -> memref<256x1024xf32, #tpu.memory_space<hbm>>
    %dma_start3A_151 = arith.constant 0 : i32
    %dma_start3A_152 = arith.constant 0 : i32
    %dma_start3A_153 = tpu.memref_slice %arg4[%dma_start3A_148, %dma_start3A_151, %dma_start3A_152] : memref<3x256x1024xf32, #tpu.memory_space<vmem_shared>> -> memref<1x256x1024xf32, #tpu.memory_space<vmem_shared>>
    %dma_start3A_154 = tpu.memref_squeeze %dma_start3A_153 : memref<1x256x1024xf32, #tpu.memory_space<vmem_shared>> -> memref<256x1024xf32, #tpu.memory_space<vmem_shared>>
    tpu.enqueue_dma source(%dma_start3A_154 : memref<256x1024xf32, #tpu.memory_space<vmem_shared>>) target(%dma_start3A_150 : memref<256x1024xf32, #tpu.memory_space<hbm>>) target_semaphore(%arg17 : memref<!tpu.dma_semaphore, #tpu.memory_space<semaphore_mem>>)
    %dma_wait3A_155 = arith.constant 2 : i32
    %dma_wait3A_156 = arith.constant 0 : i32
    %dma_wait3A_157 = arith.constant 0 : i32
    %dma_wait3A_158 = tpu.memref_slice %arg4[%dma_wait3A_155, %dma_wait3A_156, %dma_wait3A_157] : memref<3x256x1024xf32, #tpu.memory_space<vmem_shared>> -> memref<1x256x1024xf32, #tpu.memory_space<vmem_shared>>
    %dma_wait3A_159 = tpu.memref_squeeze %dma_wait3A_158 : memref<1x256x1024xf32, #tpu.memory_space<vmem_shared>> -> memref<256x1024xf32, #tpu.memory_space<vmem_shared>>
    %dma_wait3A_160 = arith.constant 0 : i32
    %dma_wait3A_161 = tpu.memref_slice %arg1[%add3A_131, %dma_wait3A_160] : memref<8192x1024xf32, #tpu.memory_space<hbm>> -> memref<256x1024xf32, #tpu.memory_space<hbm>>
    tpu.wait_dma2 semaphore(%arg15 : memref<!tpu.dma_semaphore, #tpu.memory_space<semaphore_mem>>) src(%dma_wait3A_161 : memref<256x1024xf32, #tpu.memory_space<hbm>>) dst(%dma_wait3A_159 : memref<256x1024xf32, #tpu.memory_space<vmem_shared>>)
    %add3A_162 = arith.constant 1280 : i32
    %add3A_163 = arith.addi %add3A_1, %add3A_162 : i32
    %dma_start3A_164 = arith.constant 2 : i32
    %dma_start3A_165 = arith.constant 0 : i32
    %dma_start3A_166 = tpu.memref_slice %arg2[%add3A_163, %dma_start3A_165] : memref<8192x1024xf32, #tpu.memory_space<hbm>> -> memref<256x1024xf32, #tpu.memory_space<hbm>>
    %dma_start3A_167 = arith.constant 0 : i32
    %dma_start3A_168 = arith.constant 0 : i32
    %dma_start3A_169 = tpu.memref_slice %arg4[%dma_start3A_164, %dma_start3A_167, %dma_start3A_168] : memref<3x256x1024xf32, #tpu.memory_space<vmem_shared>> -> memref<1x256x1024xf32, #tpu.memory_space<vmem_shared>>
    %dma_start3A_170 = tpu.memref_squeeze %dma_start3A_169 : memref<1x256x1024xf32, #tpu.memory_space<vmem_shared>> -> memref<256x1024xf32, #tpu.memory_space<vmem_shared>>
    tpu.enqueue_dma source(%dma_start3A_170 : memref<256x1024xf32, #tpu.memory_space<vmem_shared>>) target(%dma_start3A_166 : memref<256x1024xf32, #tpu.memory_space<hbm>>) target_semaphore(%arg18 : memref<!tpu.dma_semaphore, #tpu.memory_space<semaphore_mem>>)
    %dma_wait3A_171 = arith.constant 0 : i32
    %dma_wait3A_172 = arith.constant 0 : i32
    %dma_wait3A_173 = tpu.memref_slice %arg2[%add3A_115, %dma_wait3A_172] : memref<8192x1024xf32, #tpu.memory_space<hbm>> -> memref<256x1024xf32, #tpu.memory_space<hbm>>
    %dma_wait3A_174 = arith.constant 0 : i32
    %dma_wait3A_175 = arith.constant 0 : i32
    %dma_wait3A_176 = tpu.memref_slice %arg4[%dma_wait3A_171, %dma_wait3A_174, %dma_wait3A_175] : memref<3x256x1024xf32, #tpu.memory_space<vmem_shared>> -> memref<1x256x1024xf32, #tpu.memory_space<vmem_shared>>
    %dma_wait3A_177 = tpu.memref_squeeze %dma_wait3A_176 : memref<1x256x1024xf32, #tpu.memory_space<vmem_shared>> -> memref<256x1024xf32, #tpu.memory_space<vmem_shared>>
    tpu.wait_dma2 semaphore(%arg16 : memref<!tpu.dma_semaphore, #tpu.memory_space<semaphore_mem>>) src(%dma_wait3A_177 : memref<256x1024xf32, #tpu.memory_space<vmem_shared>>) dst(%dma_wait3A_173 : memref<256x1024xf32, #tpu.memory_space<hbm>>)
    %dma_wait3A_178 = arith.constant 1 : i32
    %dma_wait3A_179 = arith.constant 0 : i32
    %dma_wait3A_180 = tpu.memref_slice %arg2[%add3A_147, %dma_wait3A_179] : memref<8192x1024xf32, #tpu.memory_space<hbm>> -> memref<256x1024xf32, #tpu.memory_space<hbm>>
    %dma_wait3A_181 = arith.constant 0 : i32
    %dma_wait3A_182 = arith.constant 0 : i32
    %dma_wait3A_183 = tpu.memref_slice %arg4[%dma_wait3A_178, %dma_wait3A_181, %dma_wait3A_182] : memref<3x256x1024xf32, #tpu.memory_space<vmem_shared>> -> memref<1x256x1024xf32, #tpu.memory_space<vmem_shared>>
    %dma_wait3A_184 = tpu.memref_squeeze %dma_wait3A_183 : memref<1x256x1024xf32, #tpu.memory_space<vmem_shared>> -> memref<256x1024xf32, #tpu.memory_space<vmem_shared>>
    tpu.wait_dma2 semaphore(%arg17 : memref<!tpu.dma_semaphore, #tpu.memory_space<semaphore_mem>>) src(%dma_wait3A_184 : memref<256x1024xf32, #tpu.memory_space<vmem_shared>>) dst(%dma_wait3A_180 : memref<256x1024xf32, #tpu.memory_space<hbm>>)
    %dma_wait3A_185 = arith.constant 2 : i32
    %dma_wait3A_186 = arith.constant 0 : i32
    %dma_wait3A_187 = tpu.memref_slice %arg2[%add3A_163, %dma_wait3A_186] : memref<8192x1024xf32, #tpu.memory_space<hbm>> -> memref<256x1024xf32, #tpu.memory_space<hbm>>
    %dma_wait3A_188 = arith.constant 0 : i32
    %dma_wait3A_189 = arith.constant 0 : i32
    %dma_wait3A_190 = tpu.memref_slice %arg4[%dma_wait3A_185, %dma_wait3A_188, %dma_wait3A_189] : memref<3x256x1024xf32, #tpu.memory_space<vmem_shared>> -> memref<1x256x1024xf32, #tpu.memory_space<vmem_shared>>
    %dma_wait3A_191 = tpu.memref_squeeze %dma_wait3A_190 : memref<1x256x1024xf32, #tpu.memory_space<vmem_shared>> -> memref<256x1024xf32, #tpu.memory_space<vmem_shared>>
    tpu.wait_dma2 semaphore(%arg18 : memref<!tpu.dma_semaphore, #tpu.memory_space<semaphore_mem>>) src(%dma_wait3A_191 : memref<256x1024xf32, #tpu.memory_space<vmem_shared>>) dst(%dma_wait3A_187 : memref<256x1024xf32, #tpu.memory_space<hbm>>)
    return
  }
}

</mosaic_0001>

<sc_bundles>
// kernel: kernel.3.cloned.1.call-start
scs
__scs_entry_jumppad:
0x0: {  	(pc) =	sbr.rel $0x88, $3  }
0x1: {  	(tag) =	ssettag $0x0;
	lr =	simm.s32 $0x1  }
0x2: {  	[smem:$0x3FA0] =	sst lr;
	_ =	strace $0xD0000000  }
0x3: {  	_ = 	snop  }
0x4: {  	_ = 	snop  }
0x5: {  	_ = 	snop  }
0x6: {  	_ = 	snop  }
0x7: {  	_ = 	snop  }
__scs_overlays_trampoline_lowered:
0x8: {  	[smem:$0x3FAF] =	sst s0  }
0x9: {  	[smem:$0x3FB0] =	sst s1  }
0xa: {  	[smem:$0x3FB1] =	sst s2  }
0xb: {  	[smem:$0x3FB2] =	sst s3  }
0xc: {  	[smem:$0x3FB3] =	sst s4  }
0xd: {  	[smem:$0x3FB4] =	sst s5  }
0xe: {  	[smem:$0x3FB5] =	sst s6  }
0xf: {  	[smem:$0x3FB6] =	sst s7  }
0x10: {  	[smem:$0x3FB7] =	sst s8  }
0x11: {  	[smem:$0x3FB8] =	sst s9;
	s0 =	simm.s32 @!p0 $0x0  }
0x12: {  	s1 =	sld [smem:$0x3F9E];
	s0 =	simm.s32 @p0 $0x1  }
0x13: {  	[smem:$0x3FB9] =	sst s0;
	s0 =	simm.s32 @!p1 $0x0  }
0x14: {  	s2 =	sld [smem:$0x3F9D];
	s0 =	simm.s32 @p1 $0x1  }
0x15: {  	[smem:$0x3FBA] =	sst s0;
	s0 =	simm.s32 @!p2 $0x0  }
0x16: {  	s3 =	sld [smem:$0x3FDB];
	s0 =	simm.s32 @p2 $0x1  }
0x17: {  	s4 =	simm.s32 $0x1BF5;
	[smem:$0x3FBC] =	sst s0  }
0x18: {  	s0 =	sld [smem:$0x3F9F];
	_ =	swait.ge [sflag:s4], $0x0  }
0x19: {  	s7 =	sld [smem:$0x3FA0]  }
0x1a: {  	s8 =	sadd.s32 $0xFFFFE003, lr  }
0x1b: {  	s9 =	sadd.s32 $0xFFFFFEF7, lr;
	s5 =	simm.s32 $0xFFFFFFFF;
	p2 =	slt.u32 s8, $0xFFFFF086  }
0x1c: {  	p1 =	slt.u32 s9, $0xF7A;
	s5 =	simm.s32 @!p2 $0x0  }
0x1d: {  	s5 =	simm.s32 @p1 $0x1;
	p0 =	seq.s32 s7, s2  }
0x1e: {  	s7 =	smul.u32 @!p0 $0xF7A, s2;
	p2 =	seq.s32 @!p0 s5, $0x0  }
0x1f: {  	s9 =	smul.u32 $0xF7A, s1;
	s8 =	simm.s32 @!p0 $0x1BF5;
	p2 =	por !p2, p0  }
0x20: {  	[sflag:s8] =	ssyncset.s32 @!p0 $0xFFFFF086;
	s6 =	sadd.s32 @!p0 s3, s7;
	s7 =	simm.s32 @!p0 $0x108  }
0x21: {  	s3 =	sadd.s32 s3, s9;
	s6 =	sadd.s32 @!p0 $0x88, s6;
	s7 =	simm.s32 @p2 $0x1082  }
0x22: {  	[simem:s7], [sflag:s8] =	dma.local @!p0 [hbm:s6], $0xF7A  }
0x23: {  	s9 =	sor.u32 $0xD0000000, s2;
	s6 =	simm.s32 $0x108;
	_ =	swait.ge @!p0 [sflag:s8], $0x0  }
0x24: {  	s3 =	sadd.s32 $0x88, s3;
	s6 =	simm.s32 @!p1 $0x1082;
	[sflag:s4] =	ssyncset.s32 $0xFFFFF086  }
0x25: {  	[simem:s6], [sflag:s4] =	dma.local [hbm:s3], $0xF7A  }
0x26: {  	[smem:$0x3FA0] =	sst s1;
	(tag) =	ssettag s2;
	_ =	strace s9  }
0x27: {  	s1 =	sld [smem:$0x3FB0]  }
0x28: {  	s2 =	sld [smem:$0x3FB1]  }
0x29: {  	s4 =	sld [smem:$0x3FB3]  }
0x2a: {  	p0 =	seq.s32 s5, $0x0;
	s5 =	sld [smem:$0x3FB4]  }
0x2b: {  	s6 =	sld [smem:$0x3FB5]  }
0x2c: {  	s7 =	sld [smem:$0x3FB6]  }
0x2d: {  	s3 =	simm.s32 $0x108;
	s8 =	sld [smem:$0x3FB7]  }
0x2e: {  	s3 =	simm.s32 @!p0 $0x1082;
	s9 =	sld [smem:$0x3FB8]  }
0x2f: {  	lr =	sadd.s32 s0, s3;
	s0 =	sld [smem:$0x3FAF]  }
0x30: {  	s3 =	sld [smem:$0x3FB2]  }
0x31: {  	[smem:$0x3FBB] =	sst s10  }
0x32: {  	s10 =	sld [smem:$0x3FB9];
	_ =	sdelay $0x3  }
0x33: {  	p0 =	seq.s32 s10, $0x1;
	s10 =	sld [smem:$0x3FBB];
	_ =	sdelay $0x3  }
0x34: {  	[smem:$0x3FBB] =	sst s10  }
0x35: {  	s10 =	sld [smem:$0x3FBA];
	_ =	sdelay $0x3  }
0x36: {  	p1 =	seq.s32 s10, $0x1;
	s10 =	sld [smem:$0x3FBB];
	_ =	sdelay $0x3  }
0x37: {  	[smem:$0x3FBB] =	sst s10  }
0x38: {  	s10 =	sld [smem:$0x3FBC]  }
0x39: {  	_ = 	snop;
	(pc) =	sbr.ind lr, $3  }
0x3a: {  	_ = 	snop  }
0x3b: {  	_ = 	snop  }
0x3c: {  	p2 =	seq.s32 s10, $0x1;
	s10 =	sld [smem:$0x3FBB]  }
0x3d: {  	_ =	shalt  }
0x3e: {  	_ =	shalt  }
0x3f: {  	_ =	shalt  }
0x40: {  	_ =	shalt  }
0x41: {  	_ =	shalt  }
0x42: {  	_ =	shalt  }
0x43: {  	_ =	shalt  }
0x44: {  	_ =	shalt  }
0x45: {  	_ =	shalt  }
0x46: {  	_ =	shalt  }
0x47: {  	_ =	shalt  }
0x48: {  	_ =	shalt  }
0x49: {  	_ =	shalt  }
0x4a: {  	_ =	shalt  }
0x4b: {  	_ =	shalt  }
0x4c: {  	_ =	shalt  }
0x4d: {  	_ =	shalt  }
0x4e: {  	_ =	shalt  }
0x4f: {  	_ =	shalt  }
0x50: {  	_ =	shalt  }
0x51: {  	_ =	shalt  }
0x52: {  	_ =	shalt  }
0x53: {  	_ =	shalt  }
0x54: {  	_ =	shalt  }
0x55: {  	_ =	shalt  }
0x56: {  	_ =	shalt  }
0x57: {  	_ =	shalt  }
0x58: {  	_ =	shalt  }
0x59: {  	_ =	shalt  }
0x5a: {  	_ =	shalt  }
0x5b: {  	_ =	shalt  }
0x5c: {  	_ =	shalt  }
0x5d: {  	_ =	shalt  }
0x5e: {  	_ =	shalt  }
0x5f: {  	_ =	shalt  }
0x60: {  	_ =	shalt  }
0x61: {  	_ =	shalt  }
0x62: {  	_ =	shalt  }
0x63: {  	_ =	shalt  }
0x64: {  	_ =	shalt  }
0x65: {  	_ =	shalt  }
0x66: {  	_ =	shalt  }
0x67: {  	_ =	shalt  }
0x68: {  	_ =	shalt  }
0x69: {  	_ =	shalt  }
0x6a: {  	_ =	shalt  }
0x6b: {  	_ =	shalt  }
0x6c: {  	_ =	shalt  }
0x6d: {  	_ =	shalt  }
0x6e: {  	_ =	shalt  }
0x6f: {  	_ =	shalt  }
0x70: {  	_ =	shalt  }
0x71: {  	_ =	shalt  }
0x72: {  	_ =	shalt  }
0x73: {  	_ =	shalt  }
0x74: {  	_ =	shalt  }
0x75: {  	_ =	shalt  }
0x76: {  	_ =	shalt  }
0x77: {  	_ =	shalt  }
0x78: {  	_ =	shalt  }
0x79: {  	_ =	shalt  }
0x7a: {  	_ =	shalt  }
0x7b: {  	_ =	shalt  }
0x7c: {  	_ =	shalt  }
0x7d: {  	_ =	shalt  }
0x7e: {  	_ =	shalt  }
0x7f: {  	_ =	shalt  }
0x80: {  	_ =	shalt  }
0x81: {  	_ =	shalt  }
0x82: {  	_ =	shalt  }
0x83: {  	_ =	shalt  }
0x84: {  	_ =	shalt  }
0x85: {  	_ =	shalt  }
0x86: {  	_ =	shalt  }
0x87: {  	_ =	shalt  }
.Lfunc_end0:
.L_simem_size_0:
called_computation_lowered:
.L_overlay_start_0:
0x88: {  	s1 =	sld [smem:$0x3FD9]  }
0x89: {  	s3 =	sld [smem:$0x3FFE];
	_ =	sdelay $0x1  }
0x8a: {  	s2 =	srdreg.scid  }
0x8b: {  	s0 =	sand.u32 $0x1, s2  }
0x8c: {  	s30 =	sshll.u32 s0, $0xA;
	s1 =	sadd.s32 s3, s1  }
0x8d: {  	s1 =	sadd.s32 s1, s30  }
0x8e: {  	[smem:$0x3FC7] =	sst s1  }
0x8f: {  	_ = 	snop  }
0x90: {  	s1 =	simm.s32 $0x0;
	s4 =	sld [smem:$0x3FC9]  }
0x91: {  	[smem:$0xF] =	sst s1  }
0x92: {  	s31 =	sld [smem:$0x3FD0];
	(tm) =	ssettm $0x1  }
0x93: {  	s5 =	sld [smem:$0x3FFB];
	_ =	sdelay $0x3  }
0x94: {  	_ =	strace s5  }
0x95: {  	s5 =	sld [smem:$0x3FFC];
	_ =	sdelay $0x3  }
0x96: {  	_ =	strace s5  }
0x97: {  	s5 =	sld [smem:$0x3FFD];
	_ =	sdelay $0x3  }
0x98: {  	_ =	strace s5  }
0x99: {  	_ =	strace $0x8FFFFFFF  }
0x9a: {  	s9 =	sld [smem:$0x3FDB];
	_ =	sdelay $0x2  }
0x9b: {  	s6 =	simm.s32 $_scs_section_size;
	s7 =	simm.s32 $_tile_overlayer_lowered  }
0x9c: {  	s10 =	simm.s32 $_size__tile_overlayer_lowered;
	s7 =	sshll.u32 s7, $0x1;
	s5 =	sadd.s32 s6, s9  }
0x9d: {  	s8 =	simm.s32 $0x1BFF;
	s6 =	sshll.u32 s10, $0x1;
	s7 =	sadd.s32 s7, s5  }
0x9e: {  	[timem:s1], [sflag:s8] =	dma.local [hbm:s7], s6  }
0x9f: {  	_ =	swait.ge [sflag:s8], s6  }
0xa0: {  	s6 =	ssub.s32 $0x0, s6;
	[sflag:s8] =	ssyncset.done $0x0  }
0xa1: {  	[sflag:s8] =	ssyncadd.s32 s6;
	_ =	sdelay $0x1  }
0xa2: {  	s11 =	simm.s32 $0x1B8B  }
0xa3: {  	_ =	swait.ge [sflag:s11], $0x1  }
0xa4: {  	[sflag:s11] =	ssyncset.done $0x0  }
0xa5: {  	s12 =	simm.s32 $0x1B8E;
	[sflag:s11] =	ssyncadd.s32 $0xFFFFFFFF  }
0xa6: {  	s13 =	simm.s32 $execute0_lowered;
	[smem:$0x3FD2] =	sst s12  }
0xa7: {  	s6 =	sshll.u32 s13, $0x1;
	_ =	strace $0x80000046;
	[dreg:$0x1] =	wrdreg $0xFFFFFFFF  }
0xa8: {  	s14 =	simm.s32 $_size_execute0_lowered;
	s5 =	sadd.s32 s5, s6;
	[dreg:$0x0] =	wrdreg $0x0  }
0xa9: {  	s6 =	sshll.u32 s14, $0x1;
	[dreg:$0x2] =	wrdreg s5  }
0xaa: {  	[dreg:$0x3] =	wrdreg s6  }
0xab: {  	[dreg:$0x4] =	wrdreg $0xC0  }
0xac: {  	_ =	task [dreg:s1], $0x5FFFF  }
0xad: {  	[dreg:$0x1] =	wrdreg $0xFFFFFFFF  }
0xae: {  	s18 =	simm.s32 $0xA;
	s15 =	smul.u32 $0x180000, s0;
	[dreg:$0x0] =	wrdreg $0x60  }
0xaf: {  	s9 =	simm.s32 $0x20000;
	s11 =	simm.s32 $0xB;
	[dreg:$0x2] =	wrdreg s4  }
0xb0: {  	s12 =	simm.s32 $0x28000;
	s5 =	sshrl.u32 s15, $0x3;
	[dreg:$0x3] =	wrdreg s31  }
0xb1: {  	s16 =	sadd.s32 $0xA0000, s5;
	s19 =	sadd.s32 $0xA8000, s5;
	[dreg:$0x4] =	wrdreg $0x9  }
0xb2: {  	s17 =	sadd.s32 s16, s4;
	s10 =	sadd.s32 s19, s4;
	_ =	task.clear_ibuf [dreg:s1], $0x5FFFF  }
0xb3: {  	[spmem:s9], [sflag:s18] =	dma.local [hbm:s17], $0x8000  }
0xb4: {  	[spmem:s12], [sflag:s11] =	dma.local [hbm:s10], $0x8000  }
0xb5: {  	s20 =	simm.s32 $0xD;
	s14 =	simm.s32 $0xC;
	_ =	swait.ge [sflag:s18], $0x8000  }
0xb6: {  	s15 =	simm.s32 $0x30000;
	s21 =	sadd.s32 $0xB0000, s5;
	[sflag:s18] =	ssyncset.done $0x0  }
0xb7: {  	s6 =	sadd.s32 s16, s31;
	s13 =	sadd.s32 s21, s4;
	[sflag:s18] =	ssyncadd.s32 $0xFFFF8000  }
0xb8: {  	[hbm:s6], [sflag:s20] =	dma.local [spmem:s9], $0x8000  }
0xb9: {  	[spmem:s15], [sflag:s14] =	dma.local [hbm:s13], $0x8000  }
0xba: {  	_ =	swait.ge [sflag:s11], $0x8000  }
0xbb: {  	[sflag:s11] =	ssyncset.done $0x0  }
0xbc: {  	[sflag:s11] =	ssyncadd.s32 $0xFFFF8000  }
0xbd: {  	s22 =	simm.s32 $0xE;
	s7 =	sadd.s32 s19, s31  }
0xbe: {  	[hbm:s7], [sflag:s22] =	dma.local [spmem:s12], $0x8000  }
0xbf: {  	_ =	swait.ge [sflag:s20], $0x8000  }
0xc0: {  	[sflag:s20] =	ssyncset.done $0x0  }
0xc1: {  	s5 =	sadd.s32 $0xB8000, s5;
	[sflag:s20] =	ssyncadd.s32 $0xFFFF8000  }
0xc2: {  	s23 =	sadd.s32 s5, s4  }
0xc3: {  	[spmem:s9], [sflag:s18] =	dma.local [hbm:s23], $0x8000  }
0xc4: {  	_ =	swait.ge [sflag:s14], $0x8000  }
0xc5: {  	[sflag:s14] =	ssyncset.done $0x0  }
0xc6: {  	[sflag:s14] =	ssyncadd.s32 $0xFFFF8000  }
0xc7: {  	s24 =	simm.s32 $0xF;
	s6 =	sadd.s32 s21, s31  }
0xc8: {  	[hbm:s6], [sflag:s24] =	dma.local [spmem:s15], $0x8000  }
0xc9: {  	s25 =	smul.u32 $0x30000, s0;
	_ =	swait.ge [sflag:s22], $0x8000  }
0xca: {  	[sflag:s22] =	ssyncset.done $0x0  }
0xcb: {  	s16 =	sor.u32 $0xC0000, s25;
	[sflag:s22] =	ssyncadd.s32 $0xFFFF8000  }
0xcc: {  	s17 =	sadd.s32 s16, s4  }
0xcd: {  	[spmem:s12], [sflag:s11] =	dma.local [hbm:s17], $0x8000  }
0xce: {  	_ =	swait.ge [sflag:s18], $0x8000  }
0xcf: {  	[sflag:s18] =	ssyncset.done $0x0  }
0xd0: {  	[sflag:s18] =	ssyncadd.s32 $0xFFFF8000  }
0xd1: {  	s5 =	sadd.s32 s5, s31  }
0xd2: {  	[hbm:s5], [sflag:s20] =	dma.local [spmem:s9], $0x8000  }
0xd3: {  	_ =	swait.ge [sflag:s24], $0x8000  }
0xd4: {  	[sflag:s24] =	ssyncset.done $0x0  }
0xd5: {  	s26 =	sor.u32 $0xC8000, s25;
	[sflag:s24] =	ssyncadd.s32 $0xFFFF8000  }
0xd6: {  	s4 =	sadd.s32 s26, s4  }
0xd7: {  	[spmem:s15], [sflag:s14] =	dma.local [hbm:s4], $0x8000  }
0xd8: {  	_ =	swait.ge [sflag:s11], $0x8000  }
0xd9: {  	[sflag:s11] =	ssyncset.done $0x0  }
0xda: {  	[sflag:s11] =	ssyncadd.s32 $0xFFFF8000  }
0xdb: {  	s28 =	sadd.s32 s16, s31  }
0xdc: {  	[hbm:s28], [sflag:s22] =	dma.local [spmem:s12], $0x8000  }
0xdd: {  	_ =	swait.ge [sflag:s14], $0x8000  }
0xde: {  	[sflag:s14] =	ssyncset.done $0x0  }
0xdf: {  	[sflag:s14] =	ssyncadd.s32 $0xFFFF8000  }
0xe0: {  	s3 =	sadd.s32 s26, s31  }
0xe1: {  	[hbm:s3], [sflag:s24] =	dma.local [spmem:s15], $0x8000  }
0xe2: {  	_ =	swait.ge [sflag:s20], $0x8000  }
0xe3: {  	[sflag:s20] =	ssyncset.done $0x0  }
0xe4: {  	[sflag:s20] =	ssyncadd.s32 $0xFFFF8000;
	_ =	sdelay $0x2  }
0xe5: {  	_ =	swait.ge [sflag:s22], $0x8000  }
0xe6: {  	[sflag:s22] =	ssyncset.done $0x0  }
0xe7: {  	[sflag:s22] =	ssyncadd.s32 $0xFFFF8000;
	_ =	sdelay $0x2  }
0xe8: {  	_ =	swait.ge [sflag:s24], $0x8000  }
0xe9: {  	[sflag:s24] =	ssyncset.done $0x0  }
0xea: {  	[sflag:s24] =	ssyncadd.s32 $0xFFFF8000  }
0xeb: {  	_ =	strace $0x90000046  }
0xec: {  	s29 =	simm.s32 $0x9;
	_ =	strace $0x80000048  }
0xed: {  	_ =	swait.ge [sflag:s29], $0x1  }
0xee: {  	[sflag:s29] =	ssyncadd.s32 $0xFFFFFFFF  }
0xef: {  	_ =	strace $0x90000048  }
0xf0: {  	_ =	sfence  }
0xf1: {  	s30 =	sld [smem:$0x0];
	_ =	sdelay $0x2  }
0xf2: {  	s31 =	sshll.u32 s2, $0xD;
	s2 =	sshrl.u32 s2, $0x2  }
0xf3: {  	s4 =	sand.u32 $0x4000, s31;
	s2 =	sadd.s32 s2, s30  }
0xf4: {  	s0 =	sor.u32 s4, s0;
	s2 =	sshll.u32 s2, $0x11  }
0xf5: {  	s0 =	sor.u32 s2, s0  }
0xf6: {  	s0 =	sadd.s32 $0x8F2B, s0  }
0xf7: {  	[sflag:s0] =	ssyncadd.remote.s32 $0x1  }
0xf8: {  	_ =	sfence.sel $0xFFFF  }
0xf9: {  	[dreg:$0x0] =	wrdreg $0xFFFFFFFF;
	(pc) =	sbr.abs _section_cstart, $3  }
0xfa: {  	[dreg:$0x1] =	wrdreg $0xFFFFFFFF  }
0xfb: {  	_ =	task.clear_ibuf [dreg:s1], $0x2FFFF;
	_ =	strace $0x9FFFFFFF  }
0xfc: {  	(tm) =	ssettm $0x7FFFFFFF  }
0xfd: {  	_ =	shalt  }
tec
execute0_lowered:
.L_overlay_start_1:
0x0: {  	(tag) =	ssettag $0x1  }
0x1: {  	s1 =	srdreg.scid;
	s0 =	stileid.u32  }
0x2: {  	s1 =	sand.u32 $0x1, s1;
	s2 =	sshll.u32 s0, $0x1  }
0x3: {  	s29 =	rddreg [dreg:$0x0];
	s5 =	sor.u32 s1, s2  }
0x4: {  	[dreg:$0x7] =	wrdreg s1;
	s2 =	simm.s32 $0x0;
	s3 =	smul.u32 $0x5000, s5  }
0x5: {  	[smem:$0x7FF] =	sst s2  }
0x6: {  	s31 =	rddreg [dreg:$0x1];
	_ =	strace $0x80000047;
	s4 =	sadd.s32 s29, s3  }
0x7: {  	s8 =	sor.u32 $0x800, s3;
	s3 =	sadd.s32 s31, s3;
	[dreg:$0x3] =	wrdreg s4  }
0x8: {  	[dreg:$0x5] =	wrdreg s3  }
0x9: {  	s24 =	sadd.s32 s29, s8;
	s6 =	rddreg [dreg:$0x3]  }
0xa: {  	s5 =	smul.u32 $0x28000, s5;
	[dreg:$0x4] =	wrdreg s24  }
0xb: {  	[tilespmem:s2], [sflag:$0x1] =	stream.linear.gather [hbm4b:s6+s2], $0x4000, $0x38;
	[tilespmem:$0x1C000] =	vst v63  }
0xc: {  	s3 =	simm.s32 $0x4000;
	s4 =	simm.s32 $0x1;
	s7 =	rddreg [dreg:$0x4]  }
0xd: {  	[tilespmem:s3], [sflag:$0x2] =	stream.linear.gather [hbm4b:s7+s2], $0x4000, $0x38;
	[tilespmem:$0x1C000] =	vst v63  }
0xe: {  	s30 =	sshrl.u32 s5, $0x3;
	_ =	swait.ge [sflag:s4], $0x4000  }
0xf: {  	s12 =	sadd.s32 $0x1000, s30;
	[sflag:s4] =	ssyncset.done $0x0  }
0x10: {  	s26 =	sadd.s32 s29, s12;
	s25 =	rddreg [dreg:$0x5];
	[sflag:s4] =	ssyncadd.s32 $0xFFFFC000  }
0x11: {  	[hbm4b:s25+s2] =	stream.linear.scatter [tilespmem:s2], [sflag:$0x5], $0x4000, $0x38;
	[tilespmem:$0x1C000] =	vst v63  }
0x12: {  	s6 =	simm.s32 $0x8000;
	s7 =	simm.s32 $0x2;
	[dreg:$0x6] =	wrdreg s26  }
0x13: {  	[tilespmem:s6], [sflag:$0x3] =	stream.linear.gather [hbm4b:s26+s2], $0x4000, $0x38;
	[tilespmem:$0x1C000] =	vst v63  }
0x14: {  	_ =	swait.ge [sflag:s7], $0x4000  }
0x15: {  	[sflag:s7] =	ssyncset.done $0x0  }
0x16: {  	s8 =	sadd.s32 s31, s8;
	s16 =	sadd.s32 $0x1800, s30;
	[sflag:s7] =	ssyncadd.s32 $0xFFFFC000  }
0x17: {  	[hbm4b:s8+s2] =	stream.linear.scatter [tilespmem:s3], [sflag:$0x6], $0x4000, $0x38;
	[tilespmem:$0x1C000] =	vst v63  }
0x18: {  	s10 =	simm.s32 $0xC000;
	s11 =	simm.s32 $0x3;
	s9 =	sadd.s32 s29, s16  }
0x19: {  	[tilespmem:s10], [sflag:$0x4] =	stream.linear.gather [hbm4b:s9+s2], $0x4000, $0x38;
	[tilespmem:$0x1C000] =	vst v63  }
0x1a: {  	_ =	swait.ge [sflag:s11], $0x4000  }
0x1b: {  	[sflag:s11] =	ssyncset.done $0x0  }
0x1c: {  	s13 =	simm.s32 $0x5;
	s12 =	sadd.s32 s31, s12;
	[sflag:s11] =	ssyncadd.s32 $0xFFFFC000  }
0x1d: {  	[hbm4b:s12+s2] =	stream.linear.scatter [tilespmem:s6], [sflag:$0x7], $0x4000, $0x38;
	[tilespmem:$0x1C000] =	vst v63  }
0x1e: {  	_ =	swait.ge [sflag:s13], $0x4000  }
0x1f: {  	s19 =	sadd.s32 $0x2000, s30;
	[sflag:s13] =	ssyncset.done $0x0  }
0x20: {  	s15 =	simm.s32 $0x4;
	s14 =	sadd.s32 s29, s19;
	[sflag:s13] =	ssyncadd.s32 $0xFFFFC000  }
0x21: {  	[tilespmem:s2], [sflag:$0x1] =	stream.linear.gather [hbm4b:s14+s2], $0x4000, $0x38;
	[tilespmem:$0x1C000] =	vst v63  }
0x22: {  	_ =	swait.ge [sflag:s15], $0x4000  }
0x23: {  	[sflag:s15] =	ssyncset.done $0x0  }
0x24: {  	s17 =	sadd.s32 s31, s16;
	s16 =	simm.s32 $0x6;
	[sflag:s15] =	ssyncadd.s32 $0xFFFFC000  }
0x25: {  	[hbm4b:s17+s2] =	stream.linear.scatter [tilespmem:s10], [sflag:$0x8], $0x4000, $0x38;
	[tilespmem:$0x1C000] =	vst v63  }
0x26: {  	_ =	swait.ge [sflag:s16], $0x4000  }
0x27: {  	s22 =	sadd.s32 $0x2800, s30;
	[sflag:s16] =	ssyncset.done $0x0  }
0x28: {  	s18 =	sadd.s32 s29, s22;
	[sflag:s16] =	ssyncadd.s32 $0xFFFFC000  }
0x29: {  	[tilespmem:s3], [sflag:$0x2] =	stream.linear.gather [hbm4b:s18+s2], $0x4000, $0x38;
	[tilespmem:$0x1C000] =	vst v63  }
0x2a: {  	_ =	swait.ge [sflag:s4], $0x4000  }
0x2b: {  	[sflag:s4] =	ssyncset.done $0x0  }
0x2c: {  	s20 =	simm.s32 $0x7;
	s19 =	sadd.s32 s31, s19;
	[sflag:s4] =	ssyncadd.s32 $0xFFFFC000  }
0x2d: {  	[hbm4b:s19+s2] =	stream.linear.scatter [tilespmem:s2], [sflag:$0x5], $0x4000, $0x38;
	[tilespmem:$0x1C000] =	vst v63  }
0x2e: {  	_ =	swait.ge [sflag:s20], $0x4000  }
0x2f: {  	s25 =	sadd.s32 $0x3000, s30;
	[sflag:s20] =	ssyncset.done $0x0  }
0x30: {  	s21 =	sadd.s32 s29, s25;
	[sflag:s20] =	ssyncadd.s32 $0xFFFFC000  }
0x31: {  	[tilespmem:s6], [sflag:$0x3] =	stream.linear.gather [hbm4b:s21+s2], $0x4000, $0x38;
	[tilespmem:$0x1C000] =	vst v63  }
0x32: {  	_ =	swait.ge [sflag:s7], $0x4000  }
0x33: {  	[sflag:s7] =	ssyncset.done $0x0  }
0x34: {  	s23 =	simm.s32 $0x8;
	s22 =	sadd.s32 s31, s22;
	[sflag:s7] =	ssyncadd.s32 $0xFFFFC000  }
0x35: {  	[hbm4b:s22+s2] =	stream.linear.scatter [tilespmem:s3], [sflag:$0x6], $0x4000, $0x38;
	[tilespmem:$0x1C000] =	vst v63  }
0x36: {  	_ =	swait.ge [sflag:s23], $0x4000  }
0x37: {  	s28 =	sadd.s32 $0x3800, s30;
	[sflag:s23] =	ssyncset.done $0x0  }
0x38: {  	s24 =	sadd.s32 s29, s28;
	[sflag:s23] =	ssyncadd.s32 $0xFFFFC000  }
0x39: {  	[tilespmem:s10], [sflag:$0x4] =	stream.linear.gather [hbm4b:s24+s2], $0x4000, $0x38;
	[tilespmem:$0x1C000] =	vst v63  }
0x3a: {  	_ =	swait.ge [sflag:s11], $0x4000  }
0x3b: {  	[sflag:s11] =	ssyncset.done $0x0  }
0x3c: {  	s25 =	sadd.s32 s31, s25;
	[sflag:s11] =	ssyncadd.s32 $0xFFFFC000  }
0x3d: {  	[hbm4b:s25+s2] =	stream.linear.scatter [tilespmem:s6], [sflag:$0x7], $0x4000, $0x38;
	[tilespmem:$0x1C000] =	vst v63  }
0x3e: {  	_ =	swait.ge [sflag:s13], $0x4000  }
0x3f: {  	s0 =	sadd.s32 $0x4000, s30;
	[sflag:s13] =	ssyncset.done $0x0  }
0x40: {  	s26 =	sadd.s32 s29, s0;
	[sflag:s13] =	ssyncadd.s32 $0xFFFFC000  }
0x41: {  	[tilespmem:s2], [sflag:$0x1] =	stream.linear.gather [hbm4b:s26+s2], $0x4000, $0x38;
	[tilespmem:$0x1C000] =	vst v63  }
0x42: {  	_ =	swait.ge [sflag:s15], $0x4000  }
0x43: {  	[sflag:s15] =	ssyncset.done $0x0  }
0x44: {  	s28 =	sadd.s32 s31, s28;
	[sflag:s15] =	ssyncadd.s32 $0xFFFFC000  }
0x45: {  	[hbm4b:s28+s2] =	stream.linear.scatter [tilespmem:s10], [sflag:$0x8], $0x4000, $0x38;
	[tilespmem:$0x1C000] =	vst v63  }
0x46: {  	_ =	swait.ge [sflag:s16], $0x4000  }
0x47: {  	s5 =	sadd.s32 $0x4800, s30;
	[sflag:s16] =	ssyncset.done $0x0  }
0x48: {  	s29 =	sadd.s32 s29, s5;
	[sflag:s16] =	ssyncadd.s32 $0xFFFFC000  }
0x49: {  	[tilespmem:s3], [sflag:$0x2] =	stream.linear.gather [hbm4b:s29+s2], $0x4000, $0x38;
	[tilespmem:$0x1C000] =	vst v63  }
0x4a: {  	_ =	swait.ge [sflag:s4], $0x4000  }
0x4b: {  	[sflag:s4] =	ssyncset.done $0x0  }
0x4c: {  	s30 =	sadd.s32 s31, s0;
	[sflag:s4] =	ssyncadd.s32 $0xFFFFC000  }
0x4d: {  	[hbm4b:s30+s2] =	stream.linear.scatter [tilespmem:s2], [sflag:$0x5], $0x4000, $0x38;
	[tilespmem:$0x1C000] =	vst v63  }
0x4e: {  	_ =	swait.ge [sflag:s7], $0x4000  }
0x4f: {  	[sflag:s7] =	ssyncset.done $0x0  }
0x50: {  	s31 =	sadd.s32 s31, s5;
	[sflag:s7] =	ssyncadd.s32 $0xFFFFC000  }
0x51: {  	[hbm4b:s31+s2] =	stream.linear.scatter [tilespmem:s3], [sflag:$0x6], $0x4000, $0x38;
	[tilespmem:$0x1C000] =	vst v63  }
0x52: {  	_ =	swait.ge [sflag:s20], $0x4000  }
0x53: {  	[sflag:s20] =	ssyncset.done $0x0  }
0x54: {  	[sflag:s20] =	ssyncadd.s32 $0xFFFFC000  }
0x55: {  	_ =	swait.ge [sflag:s23], $0x4000  }
0x56: {  	s1 =	rddreg [dreg:$0x7]  }
0x57: {  	s0 =	ssub.s32 $0x2, s1  }
0x58: {  	s5 =	sshrl.u32 s0, $0x1  }
0x59: {  	s0 =	ssub.s32 s0, s5  }
0x5a: {  	s0 =	smax.u32 s0, $0x1  }
0x5b: {  	[sflag:s23] =	ssyncset.done $0x0;
	p0 =	sne.s32 s0, $0x1  }
.Ltmp0:
0x5c: {  	[sflag:s23] =	ssyncadd.s32 $0xFFFFC000;
	(pc) =	sbr.rel @!p0 .LBB2_2-.Ltmp0, $4  }
0x5d: {  	_ =	swait.ge [sflag:s13], $0x4000  }
0x5e: {  	[sflag:s13] =	ssyncset.done $0x0  }
0x5f: {  	[sflag:s13] =	ssyncadd.s32 $0xFFFFC000  }
0x60: {  	s1 =	sadd.s32 $0xFFFFFFFF, s0;
	_ =	swait.ge [sflag:s16], $0x4000  }
.LBB2_1:
0x61: {  	[sflag:s16] =	ssyncset.done $0x0  }
0x62: {  	s0 =	rddreg [dreg:$0x3];
	[sflag:s16] =	ssyncadd.s32 $0xFFFFC000  }
0x63: {  	[tilespmem:s2], [sflag:$0x1] =	stream.linear.gather [hbm4b:s0+s2], $0x4000, $0x38;
	[tilespmem:$0x1C000] =	vst v63  }
0x64: {  	s5 =	rddreg [dreg:$0x4]  }
0x65: {  	[tilespmem:s3], [sflag:$0x2] =	stream.linear.gather [hbm4b:s5+s2], $0x4000, $0x38;
	[tilespmem:$0x1C000] =	vst v63  }
0x66: {  	_ =	swait.ge [sflag:s4], $0x4000  }
0x67: {  	[sflag:s4] =	ssyncset.done $0x0  }
0x68: {  	s5 =	rddreg [dreg:$0x5];
	[sflag:s4] =	ssyncadd.s32 $0xFFFFC000  }
0x69: {  	[hbm4b:s5+s2] =	stream.linear.scatter [tilespmem:s2], [sflag:$0x5], $0x4000, $0x38;
	[tilespmem:$0x1C000] =	vst v63  }
0x6a: {  	s5 =	rddreg [dreg:$0x6]  }
0x6b: {  	[tilespmem:s6], [sflag:$0x3] =	stream.linear.gather [hbm4b:s5+s2], $0x4000, $0x38;
	[tilespmem:$0x1C000] =	vst v63  }
0x6c: {  	_ =	swait.ge [sflag:s7], $0x4000  }
0x6d: {  	[sflag:s7] =	ssyncset.done $0x0  }
0x6e: {  	[sflag:s7] =	ssyncadd.s32 $0xFFFFC000  }
0x6f: {  	[hbm4b:s8+s2] =	stream.linear.scatter [tilespmem:s3], [sflag:$0x6], $0x4000, $0x38;
	[tilespmem:$0x1C000] =	vst v63  }
0x70: {  	_ = 	snop  }
0x71: {  	[tilespmem:s10], [sflag:$0x4] =	stream.linear.gather [hbm4b:s9+s2], $0x4000, $0x38;
	[tilespmem:$0x1C000] =	vst v63  }
0x72: {  	_ =	swait.ge [sflag:s11], $0x4000  }
0x73: {  	[sflag:s11] =	ssyncset.done $0x0  }
0x74: {  	[sflag:s11] =	ssyncadd.s32 $0xFFFFC000  }
0x75: {  	[hbm4b:s12+s2] =	stream.linear.scatter [tilespmem:s6], [sflag:$0x7], $0x4000, $0x38;
	[tilespmem:$0x1C000] =	vst v63  }
0x76: {  	_ =	swait.ge [sflag:s13], $0x4000  }
0x77: {  	[sflag:s13] =	ssyncset.done $0x0  }
0x78: {  	[sflag:s13] =	ssyncadd.s32 $0xFFFFC000  }
0x79: {  	[tilespmem:s2], [sflag:$0x1] =	stream.linear.gather [hbm4b:s14+s2], $0x4000, $0x38;
	[tilespmem:$0x1C000] =	vst v63  }
0x7a: {  	_ =	swait.ge [sflag:s15], $0x4000  }
0x7b: {  	[sflag:s15] =	ssyncset.done $0x0  }
0x7c: {  	[sflag:s15] =	ssyncadd.s32 $0xFFFFC000  }
0x7d: {  	[hbm4b:s17+s2] =	stream.linear.scatter [tilespmem:s10], [sflag:$0x8], $0x4000, $0x38;
	[tilespmem:$0x1C000] =	vst v63  }
0x7e: {  	_ =	swait.ge [sflag:s16], $0x4000  }
0x7f: {  	[sflag:s16] =	ssyncset.done $0x0  }
0x80: {  	[sflag:s16] =	ssyncadd.s32 $0xFFFFC000  }
0x81: {  	[tilespmem:s3], [sflag:$0x2] =	stream.linear.gather [hbm4b:s18+s2], $0x4000, $0x38;
	[tilespmem:$0x1C000] =	vst v63  }
0x82: {  	_ =	swait.ge [sflag:s4], $0x4000  }
0x83: {  	[sflag:s4] =	ssyncset.done $0x0  }
0x84: {  	[sflag:s4] =	ssyncadd.s32 $0xFFFFC000  }
0x85: {  	[hbm4b:s19+s2] =	stream.linear.scatter [tilespmem:s2], [sflag:$0x5], $0x4000, $0x38;
	[tilespmem:$0x1C000] =	vst v63  }
0x86: {  	_ =	swait.ge [sflag:s20], $0x4000  }
0x87: {  	[sflag:s20] =	ssyncset.done $0x0  }
0x88: {  	[sflag:s20] =	ssyncadd.s32 $0xFFFFC000  }
0x89: {  	[tilespmem:s6], [sflag:$0x3] =	stream.linear.gather [hbm4b:s21+s2], $0x4000, $0x38;
	[tilespmem:$0x1C000] =	vst v63  }
0x8a: {  	_ =	swait.ge [sflag:s7], $0x4000  }
0x8b: {  	[sflag:s7] =	ssyncset.done $0x0  }
0x8c: {  	[sflag:s7] =	ssyncadd.s32 $0xFFFFC000  }
0x8d: {  	[hbm4b:s22+s2] =	stream.linear.scatter [tilespmem:s3], [sflag:$0x6], $0x4000, $0x38;
	[tilespmem:$0x1C000] =	vst v63  }
0x8e: {  	_ =	swait.ge [sflag:s23], $0x4000  }
0x8f: {  	[sflag:s23] =	ssyncset.done $0x0  }
0x90: {  	[sflag:s23] =	ssyncadd.s32 $0xFFFFC000  }
0x91: {  	[tilespmem:s10], [sflag:$0x4] =	stream.linear.gather [hbm4b:s24+s2], $0x4000, $0x38;
	[tilespmem:$0x1C000] =	vst v63  }
0x92: {  	_ =	swait.ge [sflag:s11], $0x4000  }
0x93: {  	[sflag:s11] =	ssyncset.done $0x0  }
0x94: {  	[sflag:s11] =	ssyncadd.s32 $0xFFFFC000  }
0x95: {  	[hbm4b:s25+s2] =	stream.linear.scatter [tilespmem:s6], [sflag:$0x7], $0x4000, $0x38;
	[tilespmem:$0x1C000] =	vst v63  }
0x96: {  	_ =	swait.ge [sflag:s13], $0x4000  }
0x97: {  	[sflag:s13] =	ssyncset.done $0x0  }
0x98: {  	[sflag:s13] =	ssyncadd.s32 $0xFFFFC000  }
0x99: {  	[tilespmem:s2], [sflag:$0x1] =	stream.linear.gather [hbm4b:s26+s2], $0x4000, $0x38;
	[tilespmem:$0x1C000] =	vst v63  }
0x9a: {  	_ =	swait.ge [sflag:s15], $0x4000  }
0x9b: {  	[sflag:s15] =	ssyncset.done $0x0  }
0x9c: {  	[sflag:s15] =	ssyncadd.s32 $0xFFFFC000  }
0x9d: {  	[hbm4b:s28+s2] =	stream.linear.scatter [tilespmem:s10], [sflag:$0x8], $0x4000, $0x38;
	[tilespmem:$0x1C000] =	vst v63  }
0x9e: {  	_ =	swait.ge [sflag:s16], $0x4000  }
0x9f: {  	[sflag:s16] =	ssyncset.done $0x0  }
0xa0: {  	[sflag:s16] =	ssyncadd.s32 $0xFFFFC000  }
0xa1: {  	[tilespmem:s3], [sflag:$0x2] =	stream.linear.gather [hbm4b:s29+s2], $0x4000, $0x38;
	[tilespmem:$0x1C000] =	vst v63  }
0xa2: {  	_ =	swait.ge [sflag:s4], $0x4000  }
0xa3: {  	[sflag:s4] =	ssyncset.done $0x0  }
0xa4: {  	[sflag:s4] =	ssyncadd.s32 $0xFFFFC000  }
0xa5: {  	[hbm4b:s30+s2] =	stream.linear.scatter [tilespmem:s2], [sflag:$0x5], $0x4000, $0x38;
	[tilespmem:$0x1C000] =	vst v63  }
0xa6: {  	_ =	swait.ge [sflag:s7], $0x4000  }
0xa7: {  	[sflag:s7] =	ssyncset.done $0x0  }
0xa8: {  	[sflag:s7] =	ssyncadd.s32 $0xFFFFC000  }
0xa9: {  	[hbm4b:s31+s2] =	stream.linear.scatter [tilespmem:s3], [sflag:$0x6], $0x4000, $0x38;
	[tilespmem:$0x1C000] =	vst v63  }
0xaa: {  	_ =	swait.ge [sflag:s20], $0x4000  }
0xab: {  	[sflag:s20] =	ssyncset.done $0x0  }
0xac: {  	[sflag:s20] =	ssyncadd.s32 $0xFFFFC000  }
0xad: {  	_ =	swait.ge [sflag:s23], $0x4000  }
0xae: {  	p0 =	sne.s32 s1, $0x1;
	[sflag:s23] =	ssyncset.done $0x0  }
.Ltmp1:
0xaf: {  	[sflag:s23] =	ssyncadd.s32 $0xFFFFC000;
	(pc) =	sbr.rel @p0 .LBB2_1-.Ltmp1, $4  }
0xb0: {  	_ =	swait.ge [sflag:s13], $0x4000  }
0xb1: {  	[sflag:s13] =	ssyncset.done $0x0  }
0xb2: {  	[sflag:s13] =	ssyncadd.s32 $0xFFFFC000  }
0xb3: {  	s1 =	sadd.s32 $0xFFFFFFFF, s1;
	_ =	swait.ge [sflag:s16], $0x4000  }
.LBB2_2:
0xb4: {  	[sflag:s16] =	ssyncset.done $0x0  }
0xb5: {  	[sflag:s16] =	ssyncadd.s32 $0xFFFFC000  }
0xb6: {  	_ =	sfence.sel $0x180000  }
0xb7: {  	[bflag:$0x0] =	sbarrier.arrive $0xFFFF  }
0xb8: {  	_ =	strace $0x90000047  }
0xb9: {  	s0 =	stileid.u32;
	[bflag:$0x2] =	sbarrier.arrive $0xFFFF  }
0xba: {  	p0 =	sne.s32 s0, $0x0;
	s0 =	rddreg [dreg:$0x2]  }
0xbb: {  	s0 =	sadd.s32 @!p0 $0x100000, s0  }
0xbc: {  	[sflag:s0] =	ssyncadd.tile.s32 @!p0 $0x1;
	_ =	shalt  }
.Lfunc_end2:
_tile_overlayer_lowered:
.L_overlay_start_2:
0xbd: {  	(tag) =	ssettag $0x2  }
0xbe: {  	s0 =	rddreg [dreg:$0x0];
	s2 =	stileid.u32  }
0xbf: {  	s1 =	rddreg [dreg:$0x1];
	p0 =	sne.s32 s2, $0x0  }
0xc0: {  	s3 =	rddreg [dreg:$0x2];
	[bflag:$0x3] =	sbarrier.arrive $0xFFFF;
	s2 =	simm.s32 @!p0 $0x1C09  }
0xc1: {  	[timem:s3], [sflag:s2] =	dma.local @!p0 [hbm:s0], s1  }
0xc2: {  	s0 =	simm.s32 @!p0 $0x9  }
0xc3: {  	_ =	swait.ge @!p0 [sflag:s0], s1  }
0xc4: {  	s1 =	ssub.s32 @!p0 $0x0, s1;
	[sflag:s0] =	ssyncset.done @!p0 $0x0  }
0xc5: {  	[sflag:s0] =	ssyncadd.s32 @!p0 s1  }
0xc6: {  	[bflag:$0x3] =	sbarrier.arrive $0xFFFF  }
0xc7: {  	_ =	shalt  }

</sc_bundles>
